<compile_context>
chip_gen: v7x
topology: tpu7x:2x2x1
jax: 0.10.2.dev20260603
libtpu: 0.0.44.dev20260713+nightly
codegen_flags: <defaults>
</compile_context>

<pallas_src>
import functools

import jax
import jax.numpy as jnp
from jax import lax
from jax.experimental import pallas as pl
from jax.experimental.pallas import tpu as pltpu
from jax.experimental.pallas import tpu_sc as plsc

VOCAB_ROWS = 8021
DIM = 312
DIM_PAD = 384
NUM_IDX = 4096 * 200

NUM_CORES = 2
NUM_SUBCORES = 16
NUM_WORKERS = NUM_CORES * NUM_SUBCORES

CHUNK = 64
NBUF = 4
ROWS_PER_WORKER = NUM_IDX // NUM_WORKERS
CHUNKS_PER_WORKER = ROWS_PER_WORKER // CHUNK
LOOKAHEAD = 2


def _gather_body(table_hbm, idx_hbm, out_hbm, idx_bufs, rows, isems, gsems,
                 wsems):
    wid = lax.axis_index("s") * NUM_CORES + lax.axis_index("c")
    row_base = wid * ROWS_PER_WORKER

    def start_idx(c, b):
        pltpu.async_copy(idx_hbm.at[pl.ds(row_base + c * CHUNK, CHUNK)],
                         idx_bufs.at[b], isems.at[b])

    def wait_idx(b):
        pltpu.make_async_copy(idx_hbm.at[pl.ds(row_base, CHUNK)],
                              idx_bufs.at[b], isems.at[b]).wait()

    def start_gather(b):
        pltpu.async_copy(table_hbm.at[idx_bufs.at[b]], rows.at[b], gsems.at[b])

    def wait_gather(b):
        pltpu.make_async_copy(table_hbm.at[idx_bufs.at[0]], rows.at[b],
                              gsems.at[b]).wait()

    def start_write(c, b):
        pltpu.async_copy(rows.at[b],
                         out_hbm.at[pl.ds(row_base + c * CHUNK, CHUNK)],
                         wsems.at[b])

    def wait_write(b):
        pltpu.make_async_copy(rows.at[b],
                              out_hbm.at[pl.ds(row_base, CHUNK)],
                              wsems.at[b]).wait()

    for c in range(LOOKAHEAD):
        start_idx(c, c % NBUF)
    for c in range(LOOKAHEAD):
        wait_idx(c % NBUF)
        start_gather(c % NBUF)

    def step(s, carry):
        for i in range(NBUF):
            c = s * NBUF + i
            b = c % NBUF
            cf = c + LOOKAHEAD
            bf = cf % NBUF

            @pl.when(cf < CHUNKS_PER_WORKER)
            def _():
                @pl.when(cf >= NBUF)
                def _():
                    wait_write(bf)
                start_idx(cf, bf)
                wait_idx(bf)
                start_gather(bf)

            wait_gather(b)
            start_write(c, b)
        return carry

    lax.fori_loop(0, CHUNKS_PER_WORKER // NBUF, step, 0)

    for b in range(NBUF):
        wait_write(b)


@jax.jit
def _embedding_gather(table, idx):
    mesh = plsc.VectorSubcoreMesh(core_axis_name="c", subcore_axis_name="s")
    run = functools.partial(
        pl.kernel,
        out_type=jax.ShapeDtypeStruct((NUM_IDX, DIM_PAD), jnp.float32),
        mesh=mesh,
        scratch_types=[
            pltpu.VMEM((NBUF, CHUNK), jnp.int32),
            pltpu.VMEM((NBUF, CHUNK, DIM_PAD), jnp.float32),
            pltpu.SemaphoreType.DMA((NBUF,)),
            pltpu.SemaphoreType.DMA((NBUF,)),
            pltpu.SemaphoreType.DMA((NBUF,)),
        ],
    )(_gather_body)
    return run(table, idx)


def kernel(x, mask, emb):
    idx = x.reshape(-1).astype(jnp.int32)
    table = jnp.pad(emb, ((0, 0), (0, DIM_PAD - DIM)))
    flat = _embedding_gather(table, idx)
    y = flat[:, :DIM].reshape(x.shape[0], x.shape[1], DIM)
    return (y, y)

# --- scband reference (transcript-rebuilt; emitter-appended) ---
"""Pipeline reference for scband-character-50414326120845 (READ-ONLY COPY).

The authoritative reference and input builder live on the scoring server;
editing this copy changes nothing except your own understanding.
"""

import jax, jax.numpy as jnp
import numpy as np

VOCAB = 8021
EMB_DIM = 312

def setup_inputs(seed: int = 0) -> dict:
    key = jax.random.key(seed)
    k1, k2 = jax.random.split(key)
    x = jax.random.randint(k1, (4096, 200), 0, VOCAB, dtype=jnp.int64 if jax.config.jax_enable_x64 else jnp.int32)
    mask = jnp.ones((4096, 200), dtype=jnp.float32)
    emb = jax.random.normal(k2, (VOCAB, EMB_DIM), dtype=jnp.float32)
    return {"x": x, "mask": mask, "emb": emb}

def reference(x, mask, emb):
    # Faithful translation of Character.forward: y = Embedding(x); return (y, y)
    y = jnp.take(emb, x, axis=0)
    return (y, y)

if __name__ == "__main__":
    import jax
    _d = setup_inputs()
    print(jax.jit(kernel)(*tuple(_d.values())))

</pallas_src>

<mosaic_0001>
#map = affine_map<(d0, d1) -> (0, 0)>
#map1 = affine_map<(d0, d1) -> (0)>
module attributes {stable_mosaic.version = 14 : i64} {
  func.func @_gather_body(%arg0: i32, %arg1: i32, %arg2: memref<8021x384xf32, #tpu.memory_space<hbm>>, %arg3: memref<819200xi32, #tpu.memory_space<hbm>>, %arg4: memref<819200x384xf32, #tpu.memory_space<hbm>>, %arg5: memref<4x64xi32, #tpu.memory_space<vmem>>, %arg6: memref<4x64x384xf32, #tpu.memory_space<vmem>>, %arg7: memref<4x!tpu.dma_semaphore, #tpu.memory_space<semaphore_mem>>, %arg8: memref<4x!tpu.dma_semaphore, #tpu.memory_space<semaphore_mem>>, %arg9: memref<4x!tpu.dma_semaphore, #tpu.memory_space<semaphore_mem>>) attributes {dimension_semantics = [#tpu.dimension_semantics<core_parallel>, #tpu.dimension_semantics<subcore_parallel>], iteration_bounds = array<i64: 2, 16>, scalar_prefetch = 0 : i64, scratch_operands = 5 : i64, tpu.core_type = #tpu.core_type<sc_vector_subcore>, window_params = [{transform_indices = #map}, {transform_indices = #map1}, {transform_indices = #map}]} {
    %mul3A = arith.constant 2 : i32
    %mul3A_0 = arith.muli %arg1, %mul3A : i32
    %add3A = arith.addi %mul3A_0, %arg0 : i32
    %mul3A_1 = arith.constant 25600 : i32
    %mul3A_2 = arith.muli %add3A, %mul3A_1 : i32
    %add3A_3 = arith.constant 0 : i32
    %add3A_4 = arith.addi %mul3A_2, %add3A_3 : i32
    %dma_start3A = arith.constant 0 : i32
    %dma_start3A_5 = arith.constant 0 : i32
    %dma_start3A_6 = arith.constant 0 : i32
    %dma_start3A_7 = tpu.memref_slice %arg5[%dma_start3A, %dma_start3A_6] : memref<4x64xi32, #tpu.memory_space<vmem>> -> memref<1x64xi32, #tpu.memory_space<vmem>>
    %dma_start3A_8 = tpu.memref_squeeze %dma_start3A_7 : memref<1x64xi32, #tpu.memory_space<vmem>> -> memref<64xi32, #tpu.memory_space<vmem>>
    %dma_start3A_9 = tpu.memref_slice %arg3[%add3A_4] : memref<819200xi32, #tpu.memory_space<hbm>> -> memref<64xi32, #tpu.memory_space<hbm>>
    %dma_start3A_10 = tpu.memref_slice %arg7[%dma_start3A_5] : memref<4x!tpu.dma_semaphore, #tpu.memory_space<semaphore_mem>> -> memref<1x!tpu.dma_semaphore, #tpu.memory_space<semaphore_mem>>
    %dma_start3A_11 = tpu.memref_squeeze %dma_start3A_10 : memref<1x!tpu.dma_semaphore, #tpu.memory_space<semaphore_mem>> -> memref<!tpu.dma_semaphore, #tpu.memory_space<semaphore_mem>>
    %dma_start3A_12 = arith.constant 0 : i32
    %dma_start3A_13 = tpu.memref_slice %arg5[%dma_start3A, %dma_start3A_12] : memref<4x64xi32, #tpu.memory_space<vmem>> -> memref<1x64xi32, #tpu.memory_space<vmem>>
    %dma_start3A_14 = tpu.memref_squeeze %dma_start3A_13 : memref<1x64xi32, #tpu.memory_space<vmem>> -> memref<64xi32, #tpu.memory_space<vmem>>
    %dma_start3A_15 = tpu.memref_slice %arg3[%add3A_4] : memref<819200xi32, #tpu.memory_space<hbm>> -> memref<64xi32, #tpu.memory_space<hbm>>
    tpu.enqueue_dma source(%dma_start3A_15 : memref<64xi32, #tpu.memory_space<hbm>>) target(%dma_start3A_14 : memref<64xi32, #tpu.memory_space<vmem>>) target_semaphore(%dma_start3A_11 : memref<!tpu.dma_semaphore, #tpu.memory_space<semaphore_mem>>)
    %add3A_16 = arith.constant 64 : i32
    %add3A_17 = arith.addi %mul3A_2, %add3A_16 : i32
    %dma_start3A_18 = arith.constant 1 : i32
    %dma_start3A_19 = arith.constant 1 : i32
    %dma_start3A_20 = arith.constant 0 : i32
    %dma_start3A_21 = tpu.memref_slice %arg5[%dma_start3A_18, %dma_start3A_20] : memref<4x64xi32, #tpu.memory_space<vmem>> -> memref<1x64xi32, #tpu.memory_space<vmem>>
    %dma_start3A_22 = tpu.memref_squeeze %dma_start3A_21 : memref<1x64xi32, #tpu.memory_space<vmem>> -> memref<64xi32, #tpu.memory_space<vmem>>
    %dma_start3A_23 = tpu.memref_slice %arg3[%add3A_17] : memref<819200xi32, #tpu.memory_space<hbm>> -> memref<64xi32, #tpu.memory_space<hbm>>
    %dma_start3A_24 = tpu.memref_slice %arg7[%dma_start3A_19] : memref<4x!tpu.dma_semaphore, #tpu.memory_space<semaphore_mem>> -> memref<1x!tpu.dma_semaphore, #tpu.memory_space<semaphore_mem>>
    %dma_start3A_25 = tpu.memref_squeeze %dma_start3A_24 : memref<1x!tpu.dma_semaphore, #tpu.memory_space<semaphore_mem>> -> memref<!tpu.dma_semaphore, #tpu.memory_space<semaphore_mem>>
    %dma_start3A_26 = arith.constant 0 : i32
    %dma_start3A_27 = tpu.memref_slice %arg5[%dma_start3A_18, %dma_start3A_26] : memref<4x64xi32, #tpu.memory_space<vmem>> -> memref<1x64xi32, #tpu.memory_space<vmem>>
    %dma_start3A_28 = tpu.memref_squeeze %dma_start3A_27 : memref<1x64xi32, #tpu.memory_space<vmem>> -> memref<64xi32, #tpu.memory_space<vmem>>
    %dma_start3A_29 = tpu.memref_slice %arg3[%add3A_17] : memref<819200xi32, #tpu.memory_space<hbm>> -> memref<64xi32, #tpu.memory_space<hbm>>
    tpu.enqueue_dma source(%dma_start3A_29 : memref<64xi32, #tpu.memory_space<hbm>>) target(%dma_start3A_28 : memref<64xi32, #tpu.memory_space<vmem>>) target_semaphore(%dma_start3A_25 : memref<!tpu.dma_semaphore, #tpu.memory_space<semaphore_mem>>)
    %dma_wait3A = arith.constant 0 : i32
    %dma_wait3A_30 = arith.constant 0 : i32
    %dma_wait3A_31 = arith.constant 0 : i32
    %dma_wait3A_32 = tpu.memref_slice %arg5[%dma_wait3A, %dma_wait3A_31] : memref<4x64xi32, #tpu.memory_space<vmem>> -> memref<1x64xi32, #tpu.memory_space<vmem>>
    %dma_wait3A_33 = tpu.memref_squeeze %dma_wait3A_32 : memref<1x64xi32, #tpu.memory_space<vmem>> -> memref<64xi32, #tpu.memory_space<vmem>>
    %dma_wait3A_34 = tpu.memref_slice %arg3[%mul3A_2] : memref<819200xi32, #tpu.memory_space<hbm>> -> memref<64xi32, #tpu.memory_space<hbm>>
    %dma_wait3A_35 = tpu.memref_slice %arg7[%dma_wait3A_30] : memref<4x!tpu.dma_semaphore, #tpu.memory_space<semaphore_mem>> -> memref<1x!tpu.dma_semaphore, #tpu.memory_space<semaphore_mem>>
    %dma_wait3A_36 = tpu.memref_squeeze %dma_wait3A_35 : memref<1x!tpu.dma_semaphore, #tpu.memory_space<semaphore_mem>> -> memref<!tpu.dma_semaphore, #tpu.memory_space<semaphore_mem>>
    %dma_wait3A_37 = arith.constant 0 : i32
    %dma_wait3A_38 = tpu.memref_slice %arg5[%dma_wait3A, %dma_wait3A_37] : memref<4x64xi32, #tpu.memory_space<vmem>> -> memref<1x64xi32, #tpu.memory_space<vmem>>
    %dma_wait3A_39 = tpu.memref_squeeze %dma_wait3A_38 : memref<1x64xi32, #tpu.memory_space<vmem>> -> memref<64xi32, #tpu.memory_space<vmem>>
    %dma_wait3A_40 = tpu.memref_slice %arg3[%mul3A_2] : memref<819200xi32, #tpu.memory_space<hbm>> -> memref<64xi32, #tpu.memory_space<hbm>>
    tpu.wait_dma2 semaphore(%dma_wait3A_36 : memref<!tpu.dma_semaphore, #tpu.memory_space<semaphore_mem>>) src(%dma_wait3A_40 : memref<64xi32, #tpu.memory_space<hbm>>) dst(%dma_wait3A_39 : memref<64xi32, #tpu.memory_space<vmem>>)
    %dma_start3A_41 = arith.constant 0 : i32
    %dma_start3A_42 = arith.constant 0 : i32
    %dma_start3A_43 = arith.constant 0 : i32
    %dma_start3A_44 = arith.constant 0 : i32
    %dma_start3A_45 = arith.constant 0 : i32
    %dma_start3A_46 = tpu.memref_slice %arg6[%dma_start3A_42, %dma_start3A_44, %dma_start3A_45] : memref<4x64x384xf32, #tpu.memory_space<vmem>> -> memref<1x64x384xf32, #tpu.memory_space<vmem>>
    %dma_start3A_47 = tpu.memref_squeeze %dma_start3A_46 : memref<1x64x384xf32, #tpu.memory_space<vmem>> -> memref<64x384xf32, #tpu.memory_space<vmem>>
    %dma_start3A_48 = arith.constant 0 : i32
    %dma_start3A_49 = tpu.memref_slice %arg5[%dma_start3A_41, %dma_start3A_48] : memref<4x64xi32, #tpu.memory_space<vmem>> -> memref<1x64xi32, #tpu.memory_space<vmem>>
    %dma_start3A_50 = tpu.memref_squeeze %dma_start3A_49 : memref<1x64xi32, #tpu.memory_space<vmem>> -> memref<64xi32, #tpu.memory_space<vmem>>
    %dma_start3A_51 = arith.constant 0 : i32
    %dma_start3A_52 = arith.constant 0 : i32
    %dma_start3A_53 = tpu.memref_slice %arg2[%dma_start3A_51, %dma_start3A_52] : memref<8021x384xf32, #tpu.memory_space<hbm>> -> memref<8021x384xf32, #tpu.memory_space<hbm>>
    %dma_start3A_54 = tpu.memref_slice %arg8[%dma_start3A_43] : memref<4x!tpu.dma_semaphore, #tpu.memory_space<semaphore_mem>> -> memref<1x!tpu.dma_semaphore, #tpu.memory_space<semaphore_mem>>
    %dma_start3A_55 = tpu.memref_squeeze %dma_start3A_54 : memref<1x!tpu.dma_semaphore, #tpu.memory_space<semaphore_mem>> -> memref<!tpu.dma_semaphore, #tpu.memory_space<semaphore_mem>>
    tpu.enqueue_indirect_dma source(%dma_start3A_53 : memref<8021x384xf32, #tpu.memory_space<hbm>>) target(%dma_start3A_47 : memref<64x384xf32, #tpu.memory_space<vmem>>) offsets(%dma_start3A_50 : memref<64xi32, #tpu.memory_space<vmem>>) semaphore(%dma_start3A_55 : memref<!tpu.dma_semaphore, #tpu.memory_space<semaphore_mem>>)
    %dma_wait3A_56 = arith.constant 1 : i32
    %dma_wait3A_57 = arith.constant 1 : i32
    %dma_wait3A_58 = arith.constant 0 : i32
    %dma_wait3A_59 = tpu.memref_slice %arg5[%dma_wait3A_56, %dma_wait3A_58] : memref<4x64xi32, #tpu.memory_space<vmem>> -> memref<1x64xi32, #tpu.memory_space<vmem>>
    %dma_wait3A_60 = tpu.memref_squeeze %dma_wait3A_59 : memref<1x64xi32, #tpu.memory_space<vmem>> -> memref<64xi32, #tpu.memory_space<vmem>>
    %dma_wait3A_61 = tpu.memref_slice %arg3[%mul3A_2] : memref<819200xi32, #tpu.memory_space<hbm>> -> memref<64xi32, #tpu.memory_space<hbm>>
    %dma_wait3A_62 = tpu.memref_slice %arg7[%dma_wait3A_57] : memref<4x!tpu.dma_semaphore, #tpu.memory_space<semaphore_mem>> -> memref<1x!tpu.dma_semaphore, #tpu.memory_space<semaphore_mem>>
    %dma_wait3A_63 = tpu.memref_squeeze %dma_wait3A_62 : memref<1x!tpu.dma_semaphore, #tpu.memory_space<semaphore_mem>> -> memref<!tpu.dma_semaphore, #tpu.memory_space<semaphore_mem>>
    %dma_wait3A_64 = arith.constant 0 : i32
    %dma_wait3A_65 = tpu.memref_slice %arg5[%dma_wait3A_56, %dma_wait3A_64] : memref<4x64xi32, #tpu.memory_space<vmem>> -> memref<1x64xi32, #tpu.memory_space<vmem>>
    %dma_wait3A_66 = tpu.memref_squeeze %dma_wait3A_65 : memref<1x64xi32, #tpu.memory_space<vmem>> -> memref<64xi32, #tpu.memory_space<vmem>>
    %dma_wait3A_67 = tpu.memref_slice %arg3[%mul3A_2] : memref<819200xi32, #tpu.memory_space<hbm>> -> memref<64xi32, #tpu.memory_space<hbm>>
    tpu.wait_dma2 semaphore(%dma_wait3A_63 : memref<!tpu.dma_semaphore, #tpu.memory_space<semaphore_mem>>) src(%dma_wait3A_67 : memref<64xi32, #tpu.memory_space<hbm>>) dst(%dma_wait3A_66 : memref<64xi32, #tpu.memory_space<vmem>>)
    %dma_start3A_68 = arith.constant 1 : i32
    %dma_start3A_69 = arith.constant 1 : i32
    %dma_start3A_70 = arith.constant 1 : i32
    %dma_start3A_71 = arith.constant 0 : i32
    %dma_start3A_72 = arith.constant 0 : i32
    %dma_start3A_73 = tpu.memref_slice %arg6[%dma_start3A_69, %dma_start3A_71, %dma_start3A_72] : memref<4x64x384xf32, #tpu.memory_space<vmem>> -> memref<1x64x384xf32, #tpu.memory_space<vmem>>
    %dma_start3A_74 = tpu.memref_squeeze %dma_start3A_73 : memref<1x64x384xf32, #tpu.memory_space<vmem>> -> memref<64x384xf32, #tpu.memory_space<vmem>>
    %dma_start3A_75 = arith.constant 0 : i32
    %dma_start3A_76 = tpu.memref_slice %arg5[%dma_start3A_68, %dma_start3A_75] : memref<4x64xi32, #tpu.memory_space<vmem>> -> memref<1x64xi32, #tpu.memory_space<vmem>>
    %dma_start3A_77 = tpu.memref_squeeze %dma_start3A_76 : memref<1x64xi32, #tpu.memory_space<vmem>> -> memref<64xi32, #tpu.memory_space<vmem>>
    %dma_start3A_78 = arith.constant 0 : i32
    %dma_start3A_79 = arith.constant 0 : i32
    %dma_start3A_80 = tpu.memref_slice %arg2[%dma_start3A_78, %dma_start3A_79] : memref<8021x384xf32, #tpu.memory_space<hbm>> -> memref<8021x384xf32, #tpu.memory_space<hbm>>
    %dma_start3A_81 = tpu.memref_slice %arg8[%dma_start3A_70] : memref<4x!tpu.dma_semaphore, #tpu.memory_space<semaphore_mem>> -> memref<1x!tpu.dma_semaphore, #tpu.memory_space<semaphore_mem>>
    %dma_start3A_82 = tpu.memref_squeeze %dma_start3A_81 : memref<1x!tpu.dma_semaphore, #tpu.memory_space<semaphore_mem>> -> memref<!tpu.dma_semaphore, #tpu.memory_space<semaphore_mem>>
    tpu.enqueue_indirect_dma source(%dma_start3A_80 : memref<8021x384xf32, #tpu.memory_space<hbm>>) target(%dma_start3A_74 : memref<64x384xf32, #tpu.memory_space<vmem>>) offsets(%dma_start3A_77 : memref<64xi32, #tpu.memory_space<vmem>>) semaphore(%dma_start3A_82 : memref<!tpu.dma_semaphore, #tpu.memory_space<semaphore_mem>>)
    %scan3A = arith.constant 0 : i32
    %scan3A_83 = arith.constant 0 : i32
    %scan3A_84 = arith.constant 100 : i32
    %scan3A_85 = arith.addi %scan3A_83, %scan3A_84 : i32
    %scan3A_86 = arith.constant 1 : i32
    scf.for %scan3A_152 = %scan3A_83 to %scan3A_85 step %scan3A_86  : i32 {
      %mul3A_153 = arith.constant 4 : i32
      %mul3A_154 = arith.muli %scan3A_152, %mul3A_153 : i32
      %add3A_155 = arith.constant 0 : i32
      %add3A_156 = arith.addi %mul3A_154, %add3A_155 : i32
      %jit3A = arith.constant 4 : i32
      %eq3A = arith.constant 0 : i32
      %eq3A_157 = arith.cmpi eq, %jit3A, %eq3A : i32
      %jit3A_158 = arith.constant 1 : i32
      %select_n3A = arith.select %eq3A_157, %jit3A_158, %jit3A : i32
      %rem3A = arith.remsi %add3A_156, %select_n3A : i32
      %ne3A = arith.constant 0 : i32
      %ne3A_159 = arith.cmpi ne, %rem3A, %ne3A : i32
      %lt3A = arith.constant 0 : i32
      %lt3A_160 = arith.cmpi slt, %rem3A, %lt3A : i32
      %lt3A_161 = arith.constant 0 : i32
      %lt3A_162 = arith.cmpi slt, %select_n3A, %lt3A_161 : i32
      %ne3A_163 = arith.xori %lt3A_160, %lt3A_162 : i1
      %and3A = arith.andi %ne3A_163, %ne3A_159 : i1
      %add3A_164 = arith.addi %rem3A, %select_n3A : i32
      %select_n3A_165 = arith.select %and3A, %add3A_164, %rem3A : i32
      %add3A_166 = arith.constant 2 : i32
      %add3A_167 = arith.addi %add3A_156, %add3A_166 : i32
      %jit3A_168 = arith.constant 4 : i32
      %eq3A_169 = arith.constant 0 : i32
      %eq3A_170 = arith.cmpi eq, %jit3A_168, %eq3A_169 : i32
      %jit3A_171 = arith.constant 1 : i32
      %select_n3A_172 = arith.select %eq3A_170, %jit3A_171, %jit3A_168 : i32
      %rem3A_173 = arith.remsi %add3A_167, %select_n3A_172 : i32
      %ne3A_174 = arith.constant 0 : i32
      %ne3A_175 = arith.cmpi ne, %rem3A_173, %ne3A_174 : i32
      %lt3A_176 = arith.constant 0 : i32
      %lt3A_177 = arith.cmpi slt, %rem3A_173, %lt3A_176 : i32
      %lt3A_178 = arith.constant 0 : i32
      %lt3A_179 = arith.cmpi slt, %select_n3A_172, %lt3A_178 : i32
      %ne3A_180 = arith.xori %lt3A_177, %lt3A_179 : i1
      %and3A_181 = arith.andi %ne3A_180, %ne3A_175 : i1
      %add3A_182 = arith.addi %rem3A_173, %select_n3A_172 : i32
      %select_n3A_183 = arith.select %and3A_181, %add3A_182, %rem3A_173 : i32
      %lt3A_184 = arith.constant 400 : i32
      %lt3A_185 = arith.cmpi slt, %add3A_167, %lt3A_184 : i32
      %convert_element_type3A = arith.extui %lt3A_185 : i1 to i32
      %cond3A = arith.constant 0 : i32
      %cond3A_186 = arith.cmpi ne, %convert_element_type3A, %cond3A : i32
      scf.if %cond3A_186 {
        %ge3A = arith.constant 4 : i32
        %ge3A_436 = arith.cmpi sge, %add3A_167, %ge3A : i32
        %convert_element_type3A_437 = arith.extui %ge3A_436 : i1 to i32
        %cond3A_438 = arith.constant 0 : i32
        %cond3A_439 = arith.cmpi ne, %convert_element_type3A_437, %cond3A_438 : i32
        scf.if %cond3A_439 {
          %dma_wait3A_475 = arith.constant 0 : i32
          %dma_wait3A_476 = arith.constant 0 : i32
          %dma_wait3A_477 = tpu.memref_slice %arg6[%select_n3A_183, %dma_wait3A_475, %dma_wait3A_476] : memref<4x64x384xf32, #tpu.memory_space<vmem>> -> memref<1x64x384xf32, #tpu.memory_space<vmem>>
          %dma_wait3A_478 = tpu.memref_squeeze %dma_wait3A_477 : memref<1x64x384xf32, #tpu.memory_space<vmem>> -> memref<64x384xf32, #tpu.memory_space<vmem>>
          %dma_wait3A_479 = arith.constant 0 : i32
          %dma_wait3A_480 = tpu.memref_slice %arg4[%mul3A_2, %dma_wait3A_479] : memref<819200x384xf32, #tpu.memory_space<hbm>> -> memref<64x384xf32, #tpu.memory_space<hbm>>
          %dma_wait3A_481 = tpu.memref_slice %arg9[%select_n3A_183] : memref<4x!tpu.dma_semaphore, #tpu.memory_space<semaphore_mem>> -> memref<1x!tpu.dma_semaphore, #tpu.memory_space<semaphore_mem>>
          %dma_wait3A_482 = tpu.memref_squeeze %dma_wait3A_481 : memref<1x!tpu.dma_semaphore, #tpu.memory_space<semaphore_mem>> -> memref<!tpu.dma_semaphore, #tpu.memory_space<semaphore_mem>>
          %dma_wait3A_483 = arith.constant 0 : i32
          %dma_wait3A_484 = tpu.memref_slice %arg4[%mul3A_2, %dma_wait3A_483] : memref<819200x384xf32, #tpu.memory_space<hbm>> -> memref<64x384xf32, #tpu.memory_space<hbm>>
          %dma_wait3A_485 = arith.constant 0 : i32
          %dma_wait3A_486 = arith.constant 0 : i32
          %dma_wait3A_487 = tpu.memref_slice %arg6[%select_n3A_183, %dma_wait3A_485, %dma_wait3A_486] : memref<4x64x384xf32, #tpu.memory_space<vmem>> -> memref<1x64x384xf32, #tpu.memory_space<vmem>>
          %dma_wait3A_488 = tpu.memref_squeeze %dma_wait3A_487 : memref<1x64x384xf32, #tpu.memory_space<vmem>> -> memref<64x384xf32, #tpu.memory_space<vmem>>
          tpu.wait_dma2 semaphore(%dma_wait3A_482 : memref<!tpu.dma_semaphore, #tpu.memory_space<semaphore_mem>>) src(%dma_wait3A_488 : memref<64x384xf32, #tpu.memory_space<vmem>>) dst(%dma_wait3A_484 : memref<64x384xf32, #tpu.memory_space<hbm>>)
        } else {
        }
        %mul3A_440 = arith.constant 64 : i32
        %mul3A_441 = arith.muli %add3A_167, %mul3A_440 : i32
        %add3A_442 = arith.addi %mul3A_2, %mul3A_441 : i32
        %dma_start3A_443 = arith.constant 0 : i32
        %dma_start3A_444 = tpu.memref_slice %arg5[%select_n3A_183, %dma_start3A_443] : memref<4x64xi32, #tpu.memory_space<vmem>> -> memref<1x64xi32, #tpu.memory_space<vmem>>
        %dma_start3A_445 = tpu.memref_squeeze %dma_start3A_444 : memref<1x64xi32, #tpu.memory_space<vmem>> -> memref<64xi32, #tpu.memory_space<vmem>>
        %dma_start3A_446 = tpu.memref_slice %arg3[%add3A_442] : memref<819200xi32, #tpu.memory_space<hbm>> -> memref<64xi32, #tpu.memory_space<hbm>>
        %dma_start3A_447 = tpu.memref_slice %arg7[%select_n3A_183] : memref<4x!tpu.dma_semaphore, #tpu.memory_space<semaphore_mem>> -> memref<1x!tpu.dma_semaphore, #tpu.memory_space<semaphore_mem>>
        %dma_start3A_448 = tpu.memref_squeeze %dma_start3A_447 : memref<1x!tpu.dma_semaphore, #tpu.memory_space<semaphore_mem>> -> memref<!tpu.dma_semaphore, #tpu.memory_space<semaphore_mem>>
        %dma_start3A_449 = arith.constant 0 : i32
        %dma_start3A_450 = tpu.memref_slice %arg5[%select_n3A_183, %dma_start3A_449] : memref<4x64xi32, #tpu.memory_space<vmem>> -> memref<1x64xi32, #tpu.memory_space<vmem>>
        %dma_start3A_451 = tpu.memref_squeeze %dma_start3A_450 : memref<1x64xi32, #tpu.memory_space<vmem>> -> memref<64xi32, #tpu.memory_space<vmem>>
        %dma_start3A_452 = tpu.memref_slice %arg3[%add3A_442] : memref<819200xi32, #tpu.memory_space<hbm>> -> memref<64xi32, #tpu.memory_space<hbm>>
        tpu.enqueue_dma source(%dma_start3A_452 : memref<64xi32, #tpu.memory_space<hbm>>) target(%dma_start3A_451 : memref<64xi32, #tpu.memory_space<vmem>>) target_semaphore(%dma_start3A_448 : memref<!tpu.dma_semaphore, #tpu.memory_space<semaphore_mem>>)
        %dma_wait3A_453 = arith.constant 0 : i32
        %dma_wait3A_454 = tpu.memref_slice %arg5[%select_n3A_183, %dma_wait3A_453] : memref<4x64xi32, #tpu.memory_space<vmem>> -> memref<1x64xi32, #tpu.memory_space<vmem>>
        %dma_wait3A_455 = tpu.memref_squeeze %dma_wait3A_454 : memref<1x64xi32, #tpu.memory_space<vmem>> -> memref<64xi32, #tpu.memory_space<vmem>>
        %dma_wait3A_456 = tpu.memref_slice %arg3[%mul3A_2] : memref<819200xi32, #tpu.memory_space<hbm>> -> memref<64xi32, #tpu.memory_space<hbm>>
        %dma_wait3A_457 = tpu.memref_slice %arg7[%select_n3A_183] : memref<4x!tpu.dma_semaphore, #tpu.memory_space<semaphore_mem>> -> memref<1x!tpu.dma_semaphore, #tpu.memory_space<semaphore_mem>>
        %dma_wait3A_458 = tpu.memref_squeeze %dma_wait3A_457 : memref<1x!tpu.dma_semaphore, #tpu.memory_space<semaphore_mem>> -> memref<!tpu.dma_semaphore, #tpu.memory_space<semaphore_mem>>
        %dma_wait3A_459 = arith.constant 0 : i32
        %dma_wait3A_460 = tpu.memref_slice %arg5[%select_n3A_183, %dma_wait3A_459] : memref<4x64xi32, #tpu.memory_space<vmem>> -> memref<1x64xi32, #tpu.memory_space<vmem>>
        %dma_wait3A_461 = tpu.memref_squeeze %dma_wait3A_460 : memref<1x64xi32, #tpu.memory_space<vmem>> -> memref<64xi32, #tpu.memory_space<vmem>>
        %dma_wait3A_462 = tpu.memref_slice %arg3[%mul3A_2] : memref<819200xi32, #tpu.memory_space<hbm>> -> memref<64xi32, #tpu.memory_space<hbm>>
        tpu.wait_dma2 semaphore(%dma_wait3A_458 : memref<!tpu.dma_semaphore, #tpu.memory_space<semaphore_mem>>) src(%dma_wait3A_462 : memref<64xi32, #tpu.memory_space<hbm>>) dst(%dma_wait3A_461 : memref<64xi32, #tpu.memory_space<vmem>>)
        %dma_start3A_463 = arith.constant 0 : i32
        %dma_start3A_464 = arith.constant 0 : i32
        %dma_start3A_465 = tpu.memref_slice %arg6[%select_n3A_183, %dma_start3A_463, %dma_start3A_464] : memref<4x64x384xf32, #tpu.memory_space<vmem>> -> memref<1x64x384xf32, #tpu.memory_space<vmem>>
        %dma_start3A_466 = tpu.memref_squeeze %dma_start3A_465 : memref<1x64x384xf32, #tpu.memory_space<vmem>> -> memref<64x384xf32, #tpu.memory_space<vmem>>
        %dma_start3A_467 = arith.constant 0 : i32
        %dma_start3A_468 = tpu.memref_slice %arg5[%select_n3A_183, %dma_start3A_467] : memref<4x64xi32, #tpu.memory_space<vmem>> -> memref<1x64xi32, #tpu.memory_space<vmem>>
        %dma_start3A_469 = tpu.memref_squeeze %dma_start3A_468 : memref<1x64xi32, #tpu.memory_space<vmem>> -> memref<64xi32, #tpu.memory_space<vmem>>
        %dma_start3A_470 = arith.constant 0 : i32
        %dma_start3A_471 = arith.constant 0 : i32
        %dma_start3A_472 = tpu.memref_slice %arg2[%dma_start3A_470, %dma_start3A_471] : memref<8021x384xf32, #tpu.memory_space<hbm>> -> memref<8021x384xf32, #tpu.memory_space<hbm>>
        %dma_start3A_473 = tpu.memref_slice %arg8[%select_n3A_183] : memref<4x!tpu.dma_semaphore, #tpu.memory_space<semaphore_mem>> -> memref<1x!tpu.dma_semaphore, #tpu.memory_space<semaphore_mem>>
        %dma_start3A_474 = tpu.memref_squeeze %dma_start3A_473 : memref<1x!tpu.dma_semaphore, #tpu.memory_space<semaphore_mem>> -> memref<!tpu.dma_semaphore, #tpu.memory_space<semaphore_mem>>
        tpu.enqueue_indirect_dma source(%dma_start3A_472 : memref<8021x384xf32, #tpu.memory_space<hbm>>) target(%dma_start3A_466 : memref<64x384xf32, #tpu.memory_space<vmem>>) offsets(%dma_start3A_469 : memref<64xi32, #tpu.memory_space<vmem>>) semaphore(%dma_start3A_474 : memref<!tpu.dma_semaphore, #tpu.memory_space<semaphore_mem>>)
      } else {
      }
      %dma_wait3A_187 = arith.constant 0 : i32
      %dma_wait3A_188 = arith.constant 0 : i32
      %dma_wait3A_189 = arith.constant 0 : i32
      %dma_wait3A_190 = tpu.memref_slice %arg6[%select_n3A_165, %dma_wait3A_188, %dma_wait3A_189] : memref<4x64x384xf32, #tpu.memory_space<vmem>> -> memref<1x64x384xf32, #tpu.memory_space<vmem>>
      %dma_wait3A_191 = tpu.memref_squeeze %dma_wait3A_190 : memref<1x64x384xf32, #tpu.memory_space<vmem>> -> memref<64x384xf32, #tpu.memory_space<vmem>>
      %dma_wait3A_192 = arith.constant 0 : i32
      %dma_wait3A_193 = tpu.memref_slice %arg5[%dma_wait3A_187, %dma_wait3A_192] : memref<4x64xi32, #tpu.memory_space<vmem>> -> memref<1x64xi32, #tpu.memory_space<vmem>>
      %dma_wait3A_194 = tpu.memref_squeeze %dma_wait3A_193 : memref<1x64xi32, #tpu.memory_space<vmem>> -> memref<64xi32, #tpu.memory_space<vmem>>
      %dma_wait3A_195 = arith.constant 0 : i32
      %dma_wait3A_196 = arith.constant 0 : i32
      %dma_wait3A_197 = tpu.memref_slice %arg2[%dma_wait3A_195, %dma_wait3A_196] : memref<8021x384xf32, #tpu.memory_space<hbm>> -> memref<8021x384xf32, #tpu.memory_space<hbm>>
      %dma_wait3A_198 = tpu.memref_slice %arg8[%select_n3A_165] : memref<4x!tpu.dma_semaphore, #tpu.memory_space<semaphore_mem>> -> memref<1x!tpu.dma_semaphore, #tpu.memory_space<semaphore_mem>>
      %dma_wait3A_199 = tpu.memref_squeeze %dma_wait3A_198 : memref<1x!tpu.dma_semaphore, #tpu.memory_space<semaphore_mem>> -> memref<!tpu.dma_semaphore, #tpu.memory_space<semaphore_mem>>
      tpu.wait_indirect_dma semaphore(%dma_wait3A_199 : memref<!tpu.dma_semaphore, #tpu.memory_space<semaphore_mem>>) src(%dma_wait3A_197 : memref<8021x384xf32, #tpu.memory_space<hbm>>) dst(%dma_wait3A_191 : memref<64x384xf32, #tpu.memory_space<vmem>>)
      %mul3A_200 = arith.constant 64 : i32
      %mul3A_201 = arith.muli %add3A_156, %mul3A_200 : i32
      %add3A_202 = arith.addi %mul3A_2, %mul3A_201 : i32
      %dma_start3A_203 = arith.constant 0 : i32
      %dma_start3A_204 = arith.constant 0 : i32
      %dma_start3A_205 = tpu.memref_slice %arg6[%select_n3A_165, %dma_start3A_203, %dma_start3A_204] : memref<4x64x384xf32, #tpu.memory_space<vmem>> -> memref<1x64x384xf32, #tpu.memory_space<vmem>>
      %dma_start3A_206 = tpu.memref_squeeze %dma_start3A_205 : memref<1x64x384xf32, #tpu.memory_space<vmem>> -> memref<64x384xf32, #tpu.memory_space<vmem>>
      %dma_start3A_207 = arith.constant 0 : i32
      %dma_start3A_208 = tpu.memref_slice %arg4[%add3A_202, %dma_start3A_207] : memref<819200x384xf32, #tpu.memory_space<hbm>> -> memref<64x384xf32, #tpu.memory_space<hbm>>
      %dma_start3A_209 = tpu.memref_slice %arg9[%select_n3A_165] : memref<4x!tpu.dma_semaphore, #tpu.memory_space<semaphore_mem>> -> memref<1x!tpu.dma_semaphore, #tpu.memory_space<semaphore_mem>>
      %dma_start3A_210 = tpu.memref_squeeze %dma_start3A_209 : memref<1x!tpu.dma_semaphore, #tpu.memory_space<semaphore_mem>> -> memref<!tpu.dma_semaphore, #tpu.memory_space<semaphore_mem>>
      %dma_start3A_211 = arith.constant 0 : i32
      %dma_start3A_212 = tpu.memref_slice %arg4[%add3A_202, %dma_start3A_211] : memref<819200x384xf32, #tpu.memory_space<hbm>> -> memref<64x384xf32, #tpu.memory_space<hbm>>
      %dma_start3A_213 = arith.constant 0 : i32
      %dma_start3A_214 = arith.constant 0 : i32
      %dma_start3A_215 = tpu.memref_slice %arg6[%select_n3A_165, %dma_start3A_213, %dma_start3A_214] : memref<4x64x384xf32, #tpu.memory_space<vmem>> -> memref<1x64x384xf32, #tpu.memory_space<vmem>>
      %dma_start3A_216 = tpu.memref_squeeze %dma_start3A_215 : memref<1x64x384xf32, #tpu.memory_space<vmem>> -> memref<64x384xf32, #tpu.memory_space<vmem>>
      tpu.enqueue_dma source(%dma_start3A_216 : memref<64x384xf32, #tpu.memory_space<vmem>>) target(%dma_start3A_212 : memref<64x384xf32, #tpu.memory_space<hbm>>) target_semaphore(%dma_start3A_210 : memref<!tpu.dma_semaphore, #tpu.memory_space<semaphore_mem>>)
      %mul3A_217 = arith.constant 4 : i32
      %mul3A_218 = arith.muli %scan3A_152, %mul3A_217 : i32
      %add3A_219 = arith.constant 1 : i32
      %add3A_220 = arith.addi %mul3A_218, %add3A_219 : i32
      %jit3A_221 = arith.constant 4 : i32
      %eq3A_222 = arith.constant 0 : i32
      %eq3A_223 = arith.cmpi eq, %jit3A_221, %eq3A_222 : i32
      %jit3A_224 = arith.constant 1 : i32
      %select_n3A_225 = arith.select %eq3A_223, %jit3A_224, %jit3A_221 : i32
      %rem3A_226 = arith.remsi %add3A_220, %select_n3A_225 : i32
      %ne3A_227 = arith.constant 0 : i32
      %ne3A_228 = arith.cmpi ne, %rem3A_226, %ne3A_227 : i32
      %lt3A_229 = arith.constant 0 : i32
      %lt3A_230 = arith.cmpi slt, %rem3A_226, %lt3A_229 : i32
      %lt3A_231 = arith.constant 0 : i32
      %lt3A_232 = arith.cmpi slt, %select_n3A_225, %lt3A_231 : i32
      %ne3A_233 = arith.xori %lt3A_230, %lt3A_232 : i1
      %and3A_234 = arith.andi %ne3A_233, %ne3A_228 : i1
      %add3A_235 = arith.addi %rem3A_226, %select_n3A_225 : i32
      %select_n3A_236 = arith.select %and3A_234, %add3A_235, %rem3A_226 : i32
      %add3A_237 = arith.constant 2 : i32
      %add3A_238 = arith.addi %add3A_220, %add3A_237 : i32
      %jit3A_239 = arith.constant 4 : i32
      %eq3A_240 = arith.constant 0 : i32
      %eq3A_241 = arith.cmpi eq, %jit3A_239, %eq3A_240 : i32
      %jit3A_242 = arith.constant 1 : i32
      %select_n3A_243 = arith.select %eq3A_241, %jit3A_242, %jit3A_239 : i32
      %rem3A_244 = arith.remsi %add3A_238, %select_n3A_243 : i32
      %ne3A_245 = arith.constant 0 : i32
      %ne3A_246 = arith.cmpi ne, %rem3A_244, %ne3A_245 : i32
      %lt3A_247 = arith.constant 0 : i32
      %lt3A_248 = arith.cmpi slt, %rem3A_244, %lt3A_247 : i32
      %lt3A_249 = arith.constant 0 : i32
      %lt3A_250 = arith.cmpi slt, %select_n3A_243, %lt3A_249 : i32
      %ne3A_251 = arith.xori %lt3A_248, %lt3A_250 : i1
      %and3A_252 = arith.andi %ne3A_251, %ne3A_246 : i1
      %add3A_253 = arith.addi %rem3A_244, %select_n3A_243 : i32
      %select_n3A_254 = arith.select %and3A_252, %add3A_253, %rem3A_244 : i32
      %lt3A_255 = arith.constant 400 : i32
      %lt3A_256 = arith.cmpi slt, %add3A_238, %lt3A_255 : i32
      %convert_element_type3A_257 = arith.extui %lt3A_256 : i1 to i32
      %cond3A_258 = arith.constant 0 : i32
      %cond3A_259 = arith.cmpi ne, %convert_element_type3A_257, %cond3A_258 : i32
      scf.if %cond3A_259 {
        %ge3A = arith.constant 4 : i32
        %ge3A_436 = arith.cmpi sge, %add3A_238, %ge3A : i32
        %convert_element_type3A_437 = arith.extui %ge3A_436 : i1 to i32
        %cond3A_438 = arith.constant 0 : i32
        %cond3A_439 = arith.cmpi ne, %convert_element_type3A_437, %cond3A_438 : i32
        scf.if %cond3A_439 {
          %dma_wait3A_475 = arith.constant 0 : i32
          %dma_wait3A_476 = arith.constant 0 : i32
          %dma_wait3A_477 = tpu.memref_slice %arg6[%select_n3A_254, %dma_wait3A_475, %dma_wait3A_476] : memref<4x64x384xf32, #tpu.memory_space<vmem>> -> memref<1x64x384xf32, #tpu.memory_space<vmem>>
          %dma_wait3A_478 = tpu.memref_squeeze %dma_wait3A_477 : memref<1x64x384xf32, #tpu.memory_space<vmem>> -> memref<64x384xf32, #tpu.memory_space<vmem>>
          %dma_wait3A_479 = arith.constant 0 : i32
          %dma_wait3A_480 = tpu.memref_slice %arg4[%mul3A_2, %dma_wait3A_479] : memref<819200x384xf32, #tpu.memory_space<hbm>> -> memref<64x384xf32, #tpu.memory_space<hbm>>
          %dma_wait3A_481 = tpu.memref_slice %arg9[%select_n3A_254] : memref<4x!tpu.dma_semaphore, #tpu.memory_space<semaphore_mem>> -> memref<1x!tpu.dma_semaphore, #tpu.memory_space<semaphore_mem>>
          %dma_wait3A_482 = tpu.memref_squeeze %dma_wait3A_481 : memref<1x!tpu.dma_semaphore, #tpu.memory_space<semaphore_mem>> -> memref<!tpu.dma_semaphore, #tpu.memory_space<semaphore_mem>>
          %dma_wait3A_483 = arith.constant 0 : i32
          %dma_wait3A_484 = tpu.memref_slice %arg4[%mul3A_2, %dma_wait3A_483] : memref<819200x384xf32, #tpu.memory_space<hbm>> -> memref<64x384xf32, #tpu.memory_space<hbm>>
          %dma_wait3A_485 = arith.constant 0 : i32
          %dma_wait3A_486 = arith.constant 0 : i32
          %dma_wait3A_487 = tpu.memref_slice %arg6[%select_n3A_254, %dma_wait3A_485, %dma_wait3A_486] : memref<4x64x384xf32, #tpu.memory_space<vmem>> -> memref<1x64x384xf32, #tpu.memory_space<vmem>>
          %dma_wait3A_488 = tpu.memref_squeeze %dma_wait3A_487 : memref<1x64x384xf32, #tpu.memory_space<vmem>> -> memref<64x384xf32, #tpu.memory_space<vmem>>
          tpu.wait_dma2 semaphore(%dma_wait3A_482 : memref<!tpu.dma_semaphore, #tpu.memory_space<semaphore_mem>>) src(%dma_wait3A_488 : memref<64x384xf32, #tpu.memory_space<vmem>>) dst(%dma_wait3A_484 : memref<64x384xf32, #tpu.memory_space<hbm>>)
        } else {
        }
        %mul3A_440 = arith.constant 64 : i32
        %mul3A_441 = arith.muli %add3A_238, %mul3A_440 : i32
        %add3A_442 = arith.addi %mul3A_2, %mul3A_441 : i32
        %dma_start3A_443 = arith.constant 0 : i32
        %dma_start3A_444 = tpu.memref_slice %arg5[%select_n3A_254, %dma_start3A_443] : memref<4x64xi32, #tpu.memory_space<vmem>> -> memref<1x64xi32, #tpu.memory_space<vmem>>
        %dma_start3A_445 = tpu.memref_squeeze %dma_start3A_444 : memref<1x64xi32, #tpu.memory_space<vmem>> -> memref<64xi32, #tpu.memory_space<vmem>>
        %dma_start3A_446 = tpu.memref_slice %arg3[%add3A_442] : memref<819200xi32, #tpu.memory_space<hbm>> -> memref<64xi32, #tpu.memory_space<hbm>>
        %dma_start3A_447 = tpu.memref_slice %arg7[%select_n3A_254] : memref<4x!tpu.dma_semaphore, #tpu.memory_space<semaphore_mem>> -> memref<1x!tpu.dma_semaphore, #tpu.memory_space<semaphore_mem>>
        %dma_start3A_448 = tpu.memref_squeeze %dma_start3A_447 : memref<1x!tpu.dma_semaphore, #tpu.memory_space<semaphore_mem>> -> memref<!tpu.dma_semaphore, #tpu.memory_space<semaphore_mem>>
        %dma_start3A_449 = arith.constant 0 : i32
        %dma_start3A_450 = tpu.memref_slice %arg5[%select_n3A_254, %dma_start3A_449] : memref<4x64xi32, #tpu.memory_space<vmem>> -> memref<1x64xi32, #tpu.memory_space<vmem>>
        %dma_start3A_451 = tpu.memref_squeeze %dma_start3A_450 : memref<1x64xi32, #tpu.memory_space<vmem>> -> memref<64xi32, #tpu.memory_space<vmem>>
        %dma_start3A_452 = tpu.memref_slice %arg3[%add3A_442] : memref<819200xi32, #tpu.memory_space<hbm>> -> memref<64xi32, #tpu.memory_space<hbm>>
        tpu.enqueue_dma source(%dma_start3A_452 : memref<64xi32, #tpu.memory_space<hbm>>) target(%dma_start3A_451 : memref<64xi32, #tpu.memory_space<vmem>>) target_semaphore(%dma_start3A_448 : memref<!tpu.dma_semaphore, #tpu.memory_space<semaphore_mem>>)
        %dma_wait3A_453 = arith.constant 0 : i32
        %dma_wait3A_454 = tpu.memref_slice %arg5[%select_n3A_254, %dma_wait3A_453] : memref<4x64xi32, #tpu.memory_space<vmem>> -> memref<1x64xi32, #tpu.memory_space<vmem>>
        %dma_wait3A_455 = tpu.memref_squeeze %dma_wait3A_454 : memref<1x64xi32, #tpu.memory_space<vmem>> -> memref<64xi32, #tpu.memory_space<vmem>>
        %dma_wait3A_456 = tpu.memref_slice %arg3[%mul3A_2] : memref<819200xi32, #tpu.memory_space<hbm>> -> memref<64xi32, #tpu.memory_space<hbm>>
        %dma_wait3A_457 = tpu.memref_slice %arg7[%select_n3A_254] : memref<4x!tpu.dma_semaphore, #tpu.memory_space<semaphore_mem>> -> memref<1x!tpu.dma_semaphore, #tpu.memory_space<semaphore_mem>>
        %dma_wait3A_458 = tpu.memref_squeeze %dma_wait3A_457 : memref<1x!tpu.dma_semaphore, #tpu.memory_space<semaphore_mem>> -> memref<!tpu.dma_semaphore, #tpu.memory_space<semaphore_mem>>
        %dma_wait3A_459 = arith.constant 0 : i32
        %dma_wait3A_460 = tpu.memref_slice %arg5[%select_n3A_254, %dma_wait3A_459] : memref<4x64xi32, #tpu.memory_space<vmem>> -> memref<1x64xi32, #tpu.memory_space<vmem>>
        %dma_wait3A_461 = tpu.memref_squeeze %dma_wait3A_460 : memref<1x64xi32, #tpu.memory_space<vmem>> -> memref<64xi32, #tpu.memory_space<vmem>>
        %dma_wait3A_462 = tpu.memref_slice %arg3[%mul3A_2] : memref<819200xi32, #tpu.memory_space<hbm>> -> memref<64xi32, #tpu.memory_space<hbm>>
        tpu.wait_dma2 semaphore(%dma_wait3A_458 : memref<!tpu.dma_semaphore, #tpu.memory_space<semaphore_mem>>) src(%dma_wait3A_462 : memref<64xi32, #tpu.memory_space<hbm>>) dst(%dma_wait3A_461 : memref<64xi32, #tpu.memory_space<vmem>>)
        %dma_start3A_463 = arith.constant 0 : i32
        %dma_start3A_464 = arith.constant 0 : i32
        %dma_start3A_465 = tpu.memref_slice %arg6[%select_n3A_254, %dma_start3A_463, %dma_start3A_464] : memref<4x64x384xf32, #tpu.memory_space<vmem>> -> memref<1x64x384xf32, #tpu.memory_space<vmem>>
        %dma_start3A_466 = tpu.memref_squeeze %dma_start3A_465 : memref<1x64x384xf32, #tpu.memory_space<vmem>> -> memref<64x384xf32, #tpu.memory_space<vmem>>
        %dma_start3A_467 = arith.constant 0 : i32
        %dma_start3A_468 = tpu.memref_slice %arg5[%select_n3A_254, %dma_start3A_467] : memref<4x64xi32, #tpu.memory_space<vmem>> -> memref<1x64xi32, #tpu.memory_space<vmem>>
        %dma_start3A_469 = tpu.memref_squeeze %dma_start3A_468 : memref<1x64xi32, #tpu.memory_space<vmem>> -> memref<64xi32, #tpu.memory_space<vmem>>
        %dma_start3A_470 = arith.constant 0 : i32
        %dma_start3A_471 = arith.constant 0 : i32
        %dma_start3A_472 = tpu.memref_slice %arg2[%dma_start3A_470, %dma_start3A_471] : memref<8021x384xf32, #tpu.memory_space<hbm>> -> memref<8021x384xf32, #tpu.memory_space<hbm>>
        %dma_start3A_473 = tpu.memref_slice %arg8[%select_n3A_254] : memref<4x!tpu.dma_semaphore, #tpu.memory_space<semaphore_mem>> -> memref<1x!tpu.dma_semaphore, #tpu.memory_space<semaphore_mem>>
        %dma_start3A_474 = tpu.memref_squeeze %dma_start3A_473 : memref<1x!tpu.dma_semaphore, #tpu.memory_space<semaphore_mem>> -> memref<!tpu.dma_semaphore, #tpu.memory_space<semaphore_mem>>
        tpu.enqueue_indirect_dma source(%dma_start3A_472 : memref<8021x384xf32, #tpu.memory_space<hbm>>) target(%dma_start3A_466 : memref<64x384xf32, #tpu.memory_space<vmem>>) offsets(%dma_start3A_469 : memref<64xi32, #tpu.memory_space<vmem>>) semaphore(%dma_start3A_474 : memref<!tpu.dma_semaphore, #tpu.memory_space<semaphore_mem>>)
      } else {
      }
      %dma_wait3A_260 = arith.constant 0 : i32
      %dma_wait3A_261 = arith.constant 0 : i32
      %dma_wait3A_262 = arith.constant 0 : i32
      %dma_wait3A_263 = tpu.memref_slice %arg6[%select_n3A_236, %dma_wait3A_261, %dma_wait3A_262] : memref<4x64x384xf32, #tpu.memory_space<vmem>> -> memref<1x64x384xf32, #tpu.memory_space<vmem>>
      %dma_wait3A_264 = tpu.memref_squeeze %dma_wait3A_263 : memref<1x64x384xf32, #tpu.memory_space<vmem>> -> memref<64x384xf32, #tpu.memory_space<vmem>>
      %dma_wait3A_265 = arith.constant 0 : i32
      %dma_wait3A_266 = tpu.memref_slice %arg5[%dma_wait3A_260, %dma_wait3A_265] : memref<4x64xi32, #tpu.memory_space<vmem>> -> memref<1x64xi32, #tpu.memory_space<vmem>>
      %dma_wait3A_267 = tpu.memref_squeeze %dma_wait3A_266 : memref<1x64xi32, #tpu.memory_space<vmem>> -> memref<64xi32, #tpu.memory_space<vmem>>
      %dma_wait3A_268 = arith.constant 0 : i32
      %dma_wait3A_269 = arith.constant 0 : i32
      %dma_wait3A_270 = tpu.memref_slice %arg2[%dma_wait3A_268, %dma_wait3A_269] : memref<8021x384xf32, #tpu.memory_space<hbm>> -> memref<8021x384xf32, #tpu.memory_space<hbm>>
      %dma_wait3A_271 = tpu.memref_slice %arg8[%select_n3A_236] : memref<4x!tpu.dma_semaphore, #tpu.memory_space<semaphore_mem>> -> memref<1x!tpu.dma_semaphore, #tpu.memory_space<semaphore_mem>>
      %dma_wait3A_272 = tpu.memref_squeeze %dma_wait3A_271 : memref<1x!tpu.dma_semaphore, #tpu.memory_space<semaphore_mem>> -> memref<!tpu.dma_semaphore, #tpu.memory_space<semaphore_mem>>
      tpu.wait_indirect_dma semaphore(%dma_wait3A_272 : memref<!tpu.dma_semaphore, #tpu.memory_space<semaphore_mem>>) src(%dma_wait3A_270 : memref<8021x384xf32, #tpu.memory_space<hbm>>) dst(%dma_wait3A_264 : memref<64x384xf32, #tpu.memory_space<vmem>>)
      %mul3A_273 = arith.constant 64 : i32
      %mul3A_274 = arith.muli %add3A_220, %mul3A_273 : i32
      %add3A_275 = arith.addi %mul3A_2, %mul3A_274 : i32
      %dma_start3A_276 = arith.constant 0 : i32
      %dma_start3A_277 = arith.constant 0 : i32
      %dma_start3A_278 = tpu.memref_slice %arg6[%select_n3A_236, %dma_start3A_276, %dma_start3A_277] : memref<4x64x384xf32, #tpu.memory_space<vmem>> -> memref<1x64x384xf32, #tpu.memory_space<vmem>>
      %dma_start3A_279 = tpu.memref_squeeze %dma_start3A_278 : memref<1x64x384xf32, #tpu.memory_space<vmem>> -> memref<64x384xf32, #tpu.memory_space<vmem>>
      %dma_start3A_280 = arith.constant 0 : i32
      %dma_start3A_281 = tpu.memref_slice %arg4[%add3A_275, %dma_start3A_280] : memref<819200x384xf32, #tpu.memory_space<hbm>> -> memref<64x384xf32, #tpu.memory_space<hbm>>
      %dma_start3A_282 = tpu.memref_slice %arg9[%select_n3A_236] : memref<4x!tpu.dma_semaphore, #tpu.memory_space<semaphore_mem>> -> memref<1x!tpu.dma_semaphore, #tpu.memory_space<semaphore_mem>>
      %dma_start3A_283 = tpu.memref_squeeze %dma_start3A_282 : memref<1x!tpu.dma_semaphore, #tpu.memory_space<semaphore_mem>> -> memref<!tpu.dma_semaphore, #tpu.memory_space<semaphore_mem>>
      %dma_start3A_284 = arith.constant 0 : i32
      %dma_start3A_285 = tpu.memref_slice %arg4[%add3A_275, %dma_start3A_284] : memref<819200x384xf32, #tpu.memory_space<hbm>> -> memref<64x384xf32, #tpu.memory_space<hbm>>
      %dma_start3A_286 = arith.constant 0 : i32
      %dma_start3A_287 = arith.constant 0 : i32
      %dma_start3A_288 = tpu.memref_slice %arg6[%select_n3A_236, %dma_start3A_286, %dma_start3A_287] : memref<4x64x384xf32, #tpu.memory_space<vmem>> -> memref<1x64x384xf32, #tpu.memory_space<vmem>>
      %dma_start3A_289 = tpu.memref_squeeze %dma_start3A_288 : memref<1x64x384xf32, #tpu.memory_space<vmem>> -> memref<64x384xf32, #tpu.memory_space<vmem>>
      tpu.enqueue_dma source(%dma_start3A_289 : memref<64x384xf32, #tpu.memory_space<vmem>>) target(%dma_start3A_285 : memref<64x384xf32, #tpu.memory_space<hbm>>) target_semaphore(%dma_start3A_283 : memref<!tpu.dma_semaphore, #tpu.memory_space<semaphore_mem>>)
      %mul3A_290 = arith.constant 4 : i32
      %mul3A_291 = arith.muli %scan3A_152, %mul3A_290 : i32
      %add3A_292 = arith.constant 2 : i32
      %add3A_293 = arith.addi %mul3A_291, %add3A_292 : i32
      %jit3A_294 = arith.constant 4 : i32
      %eq3A_295 = arith.constant 0 : i32
      %eq3A_296 = arith.cmpi eq, %jit3A_294, %eq3A_295 : i32
      %jit3A_297 = arith.constant 1 : i32
      %select_n3A_298 = arith.select %eq3A_296, %jit3A_297, %jit3A_294 : i32
      %rem3A_299 = arith.remsi %add3A_293, %select_n3A_298 : i32
      %ne3A_300 = arith.constant 0 : i32
      %ne3A_301 = arith.cmpi ne, %rem3A_299, %ne3A_300 : i32
      %lt3A_302 = arith.constant 0 : i32
      %lt3A_303 = arith.cmpi slt, %rem3A_299, %lt3A_302 : i32
      %lt3A_304 = arith.constant 0 : i32
      %lt3A_305 = arith.cmpi slt, %select_n3A_298, %lt3A_304 : i32
      %ne3A_306 = arith.xori %lt3A_303, %lt3A_305 : i1
      %and3A_307 = arith.andi %ne3A_306, %ne3A_301 : i1
      %add3A_308 = arith.addi %rem3A_299, %select_n3A_298 : i32
      %select_n3A_309 = arith.select %and3A_307, %add3A_308, %rem3A_299 : i32
      %add3A_310 = arith.constant 2 : i32
      %add3A_311 = arith.addi %add3A_293, %add3A_310 : i32
      %jit3A_312 = arith.constant 4 : i32
      %eq3A_313 = arith.constant 0 : i32
      %eq3A_314 = arith.cmpi eq, %jit3A_312, %eq3A_313 : i32
      %jit3A_315 = arith.constant 1 : i32
      %select_n3A_316 = arith.select %eq3A_314, %jit3A_315, %jit3A_312 : i32
      %rem3A_317 = arith.remsi %add3A_311, %select_n3A_316 : i32
      %ne3A_318 = arith.constant 0 : i32
      %ne3A_319 = arith.cmpi ne, %rem3A_317, %ne3A_318 : i32
      %lt3A_320 = arith.constant 0 : i32
      %lt3A_321 = arith.cmpi slt, %rem3A_317, %lt3A_320 : i32
      %lt3A_322 = arith.constant 0 : i32
      %lt3A_323 = arith.cmpi slt, %select_n3A_316, %lt3A_322 : i32
      %ne3A_324 = arith.xori %lt3A_321, %lt3A_323 : i1
      %and3A_325 = arith.andi %ne3A_324, %ne3A_319 : i1
      %add3A_326 = arith.addi %rem3A_317, %select_n3A_316 : i32
      %select_n3A_327 = arith.select %and3A_325, %add3A_326, %rem3A_317 : i32
      %lt3A_328 = arith.constant 400 : i32
      %lt3A_329 = arith.cmpi slt, %add3A_311, %lt3A_328 : i32
      %convert_element_type3A_330 = arith.extui %lt3A_329 : i1 to i32
      %cond3A_331 = arith.constant 0 : i32
      %cond3A_332 = arith.cmpi ne, %convert_element_type3A_330, %cond3A_331 : i32
      scf.if %cond3A_332 {
        %ge3A = arith.constant 4 : i32
        %ge3A_436 = arith.cmpi sge, %add3A_311, %ge3A : i32
        %convert_element_type3A_437 = arith.extui %ge3A_436 : i1 to i32
        %cond3A_438 = arith.constant 0 : i32
        %cond3A_439 = arith.cmpi ne, %convert_element_type3A_437, %cond3A_438 : i32
        scf.if %cond3A_439 {
          %dma_wait3A_475 = arith.constant 0 : i32
          %dma_wait3A_476 = arith.constant 0 : i32
          %dma_wait3A_477 = tpu.memref_slice %arg6[%select_n3A_327, %dma_wait3A_475, %dma_wait3A_476] : memref<4x64x384xf32, #tpu.memory_space<vmem>> -> memref<1x64x384xf32, #tpu.memory_space<vmem>>
          %dma_wait3A_478 = tpu.memref_squeeze %dma_wait3A_477 : memref<1x64x384xf32, #tpu.memory_space<vmem>> -> memref<64x384xf32, #tpu.memory_space<vmem>>
          %dma_wait3A_479 = arith.constant 0 : i32
          %dma_wait3A_480 = tpu.memref_slice %arg4[%mul3A_2, %dma_wait3A_479] : memref<819200x384xf32, #tpu.memory_space<hbm>> -> memref<64x384xf32, #tpu.memory_space<hbm>>
          %dma_wait3A_481 = tpu.memref_slice %arg9[%select_n3A_327] : memref<4x!tpu.dma_semaphore, #tpu.memory_space<semaphore_mem>> -> memref<1x!tpu.dma_semaphore, #tpu.memory_space<semaphore_mem>>
          %dma_wait3A_482 = tpu.memref_squeeze %dma_wait3A_481 : memref<1x!tpu.dma_semaphore, #tpu.memory_space<semaphore_mem>> -> memref<!tpu.dma_semaphore, #tpu.memory_space<semaphore_mem>>
          %dma_wait3A_483 = arith.constant 0 : i32
          %dma_wait3A_484 = tpu.memref_slice %arg4[%mul3A_2, %dma_wait3A_483] : memref<819200x384xf32, #tpu.memory_space<hbm>> -> memref<64x384xf32, #tpu.memory_space<hbm>>
          %dma_wait3A_485 = arith.constant 0 : i32
          %dma_wait3A_486 = arith.constant 0 : i32
          %dma_wait3A_487 = tpu.memref_slice %arg6[%select_n3A_327, %dma_wait3A_485, %dma_wait3A_486] : memref<4x64x384xf32, #tpu.memory_space<vmem>> -> memref<1x64x384xf32, #tpu.memory_space<vmem>>
          %dma_wait3A_488 = tpu.memref_squeeze %dma_wait3A_487 : memref<1x64x384xf32, #tpu.memory_space<vmem>> -> memref<64x384xf32, #tpu.memory_space<vmem>>
          tpu.wait_dma2 semaphore(%dma_wait3A_482 : memref<!tpu.dma_semaphore, #tpu.memory_space<semaphore_mem>>) src(%dma_wait3A_488 : memref<64x384xf32, #tpu.memory_space<vmem>>) dst(%dma_wait3A_484 : memref<64x384xf32, #tpu.memory_space<hbm>>)
        } else {
        }
        %mul3A_440 = arith.constant 64 : i32
        %mul3A_441 = arith.muli %add3A_311, %mul3A_440 : i32
        %add3A_442 = arith.addi %mul3A_2, %mul3A_441 : i32
        %dma_start3A_443 = arith.constant 0 : i32
        %dma_start3A_444 = tpu.memref_slice %arg5[%select_n3A_327, %dma_start3A_443] : memref<4x64xi32, #tpu.memory_space<vmem>> -> memref<1x64xi32, #tpu.memory_space<vmem>>
        %dma_start3A_445 = tpu.memref_squeeze %dma_start3A_444 : memref<1x64xi32, #tpu.memory_space<vmem>> -> memref<64xi32, #tpu.memory_space<vmem>>
        %dma_start3A_446 = tpu.memref_slice %arg3[%add3A_442] : memref<819200xi32, #tpu.memory_space<hbm>> -> memref<64xi32, #tpu.memory_space<hbm>>
        %dma_start3A_447 = tpu.memref_slice %arg7[%select_n3A_327] : memref<4x!tpu.dma_semaphore, #tpu.memory_space<semaphore_mem>> -> memref<1x!tpu.dma_semaphore, #tpu.memory_space<semaphore_mem>>
        %dma_start3A_448 = tpu.memref_squeeze %dma_start3A_447 : memref<1x!tpu.dma_semaphore, #tpu.memory_space<semaphore_mem>> -> memref<!tpu.dma_semaphore, #tpu.memory_space<semaphore_mem>>
        %dma_start3A_449 = arith.constant 0 : i32
        %dma_start3A_450 = tpu.memref_slice %arg5[%select_n3A_327, %dma_start3A_449] : memref<4x64xi32, #tpu.memory_space<vmem>> -> memref<1x64xi32, #tpu.memory_space<vmem>>
        %dma_start3A_451 = tpu.memref_squeeze %dma_start3A_450 : memref<1x64xi32, #tpu.memory_space<vmem>> -> memref<64xi32, #tpu.memory_space<vmem>>
        %dma_start3A_452 = tpu.memref_slice %arg3[%add3A_442] : memref<819200xi32, #tpu.memory_space<hbm>> -> memref<64xi32, #tpu.memory_space<hbm>>
        tpu.enqueue_dma source(%dma_start3A_452 : memref<64xi32, #tpu.memory_space<hbm>>) target(%dma_start3A_451 : memref<64xi32, #tpu.memory_space<vmem>>) target_semaphore(%dma_start3A_448 : memref<!tpu.dma_semaphore, #tpu.memory_space<semaphore_mem>>)
        %dma_wait3A_453 = arith.constant 0 : i32
        %dma_wait3A_454 = tpu.memref_slice %arg5[%select_n3A_327, %dma_wait3A_453] : memref<4x64xi32, #tpu.memory_space<vmem>> -> memref<1x64xi32, #tpu.memory_space<vmem>>
        %dma_wait3A_455 = tpu.memref_squeeze %dma_wait3A_454 : memref<1x64xi32, #tpu.memory_space<vmem>> -> memref<64xi32, #tpu.memory_space<vmem>>
        %dma_wait3A_456 = tpu.memref_slice %arg3[%mul3A_2] : memref<819200xi32, #tpu.memory_space<hbm>> -> memref<64xi32, #tpu.memory_space<hbm>>
        %dma_wait3A_457 = tpu.memref_slice %arg7[%select_n3A_327] : memref<4x!tpu.dma_semaphore, #tpu.memory_space<semaphore_mem>> -> memref<1x!tpu.dma_semaphore, #tpu.memory_space<semaphore_mem>>
        %dma_wait3A_458 = tpu.memref_squeeze %dma_wait3A_457 : memref<1x!tpu.dma_semaphore, #tpu.memory_space<semaphore_mem>> -> memref<!tpu.dma_semaphore, #tpu.memory_space<semaphore_mem>>
        %dma_wait3A_459 = arith.constant 0 : i32
        %dma_wait3A_460 = tpu.memref_slice %arg5[%select_n3A_327, %dma_wait3A_459] : memref<4x64xi32, #tpu.memory_space<vmem>> -> memref<1x64xi32, #tpu.memory_space<vmem>>
        %dma_wait3A_461 = tpu.memref_squeeze %dma_wait3A_460 : memref<1x64xi32, #tpu.memory_space<vmem>> -> memref<64xi32, #tpu.memory_space<vmem>>
        %dma_wait3A_462 = tpu.memref_slice %arg3[%mul3A_2] : memref<819200xi32, #tpu.memory_space<hbm>> -> memref<64xi32, #tpu.memory_space<hbm>>
        tpu.wait_dma2 semaphore(%dma_wait3A_458 : memref<!tpu.dma_semaphore, #tpu.memory_space<semaphore_mem>>) src(%dma_wait3A_462 : memref<64xi32, #tpu.memory_space<hbm>>) dst(%dma_wait3A_461 : memref<64xi32, #tpu.memory_space<vmem>>)
        %dma_start3A_463 = arith.constant 0 : i32
        %dma_start3A_464 = arith.constant 0 : i32
        %dma_start3A_465 = tpu.memref_slice %arg6[%select_n3A_327, %dma_start3A_463, %dma_start3A_464] : memref<4x64x384xf32, #tpu.memory_space<vmem>> -> memref<1x64x384xf32, #tpu.memory_space<vmem>>
        %dma_start3A_466 = tpu.memref_squeeze %dma_start3A_465 : memref<1x64x384xf32, #tpu.memory_space<vmem>> -> memref<64x384xf32, #tpu.memory_space<vmem>>
        %dma_start3A_467 = arith.constant 0 : i32
        %dma_start3A_468 = tpu.memref_slice %arg5[%select_n3A_327, %dma_start3A_467] : memref<4x64xi32, #tpu.memory_space<vmem>> -> memref<1x64xi32, #tpu.memory_space<vmem>>
        %dma_start3A_469 = tpu.memref_squeeze %dma_start3A_468 : memref<1x64xi32, #tpu.memory_space<vmem>> -> memref<64xi32, #tpu.memory_space<vmem>>
        %dma_start3A_470 = arith.constant 0 : i32
        %dma_start3A_471 = arith.constant 0 : i32
        %dma_start3A_472 = tpu.memref_slice %arg2[%dma_start3A_470, %dma_start3A_471] : memref<8021x384xf32, #tpu.memory_space<hbm>> -> memref<8021x384xf32, #tpu.memory_space<hbm>>
        %dma_start3A_473 = tpu.memref_slice %arg8[%select_n3A_327] : memref<4x!tpu.dma_semaphore, #tpu.memory_space<semaphore_mem>> -> memref<1x!tpu.dma_semaphore, #tpu.memory_space<semaphore_mem>>
        %dma_start3A_474 = tpu.memref_squeeze %dma_start3A_473 : memref<1x!tpu.dma_semaphore, #tpu.memory_space<semaphore_mem>> -> memref<!tpu.dma_semaphore, #tpu.memory_space<semaphore_mem>>
        tpu.enqueue_indirect_dma source(%dma_start3A_472 : memref<8021x384xf32, #tpu.memory_space<hbm>>) target(%dma_start3A_466 : memref<64x384xf32, #tpu.memory_space<vmem>>) offsets(%dma_start3A_469 : memref<64xi32, #tpu.memory_space<vmem>>) semaphore(%dma_start3A_474 : memref<!tpu.dma_semaphore, #tpu.memory_space<semaphore_mem>>)
      } else {
      }
      %dma_wait3A_333 = arith.constant 0 : i32
      %dma_wait3A_334 = arith.constant 0 : i32
      %dma_wait3A_335 = arith.constant 0 : i32
      %dma_wait3A_336 = tpu.memref_slice %arg6[%select_n3A_309, %dma_wait3A_334, %dma_wait3A_335] : memref<4x64x384xf32, #tpu.memory_space<vmem>> -> memref<1x64x384xf32, #tpu.memory_space<vmem>>
      %dma_wait3A_337 = tpu.memref_squeeze %dma_wait3A_336 : memref<1x64x384xf32, #tpu.memory_space<vmem>> -> memref<64x384xf32, #tpu.memory_space<vmem>>
      %dma_wait3A_338 = arith.constant 0 : i32
      %dma_wait3A_339 = tpu.memref_slice %arg5[%dma_wait3A_333, %dma_wait3A_338] : memref<4x64xi32, #tpu.memory_space<vmem>> -> memref<1x64xi32, #tpu.memory_space<vmem>>
      %dma_wait3A_340 = tpu.memref_squeeze %dma_wait3A_339 : memref<1x64xi32, #tpu.memory_space<vmem>> -> memref<64xi32, #tpu.memory_space<vmem>>
      %dma_wait3A_341 = arith.constant 0 : i32
      %dma_wait3A_342 = arith.constant 0 : i32
      %dma_wait3A_343 = tpu.memref_slice %arg2[%dma_wait3A_341, %dma_wait3A_342] : memref<8021x384xf32, #tpu.memory_space<hbm>> -> memref<8021x384xf32, #tpu.memory_space<hbm>>
      %dma_wait3A_344 = tpu.memref_slice %arg8[%select_n3A_309] : memref<4x!tpu.dma_semaphore, #tpu.memory_space<semaphore_mem>> -> memref<1x!tpu.dma_semaphore, #tpu.memory_space<semaphore_mem>>
      %dma_wait3A_345 = tpu.memref_squeeze %dma_wait3A_344 : memref<1x!tpu.dma_semaphore, #tpu.memory_space<semaphore_mem>> -> memref<!tpu.dma_semaphore, #tpu.memory_space<semaphore_mem>>
      tpu.wait_indirect_dma semaphore(%dma_wait3A_345 : memref<!tpu.dma_semaphore, #tpu.memory_space<semaphore_mem>>) src(%dma_wait3A_343 : memref<8021x384xf32, #tpu.memory_space<hbm>>) dst(%dma_wait3A_337 : memref<64x384xf32, #tpu.memory_space<vmem>>)
      %mul3A_346 = arith.constant 64 : i32
      %mul3A_347 = arith.muli %add3A_293, %mul3A_346 : i32
      %add3A_348 = arith.addi %mul3A_2, %mul3A_347 : i32
      %dma_start3A_349 = arith.constant 0 : i32
      %dma_start3A_350 = arith.constant 0 : i32
      %dma_start3A_351 = tpu.memref_slice %arg6[%select_n3A_309, %dma_start3A_349, %dma_start3A_350] : memref<4x64x384xf32, #tpu.memory_space<vmem>> -> memref<1x64x384xf32, #tpu.memory_space<vmem>>
      %dma_start3A_352 = tpu.memref_squeeze %dma_start3A_351 : memref<1x64x384xf32, #tpu.memory_space<vmem>> -> memref<64x384xf32, #tpu.memory_space<vmem>>
      %dma_start3A_353 = arith.constant 0 : i32
      %dma_start3A_354 = tpu.memref_slice %arg4[%add3A_348, %dma_start3A_353] : memref<819200x384xf32, #tpu.memory_space<hbm>> -> memref<64x384xf32, #tpu.memory_space<hbm>>
      %dma_start3A_355 = tpu.memref_slice %arg9[%select_n3A_309] : memref<4x!tpu.dma_semaphore, #tpu.memory_space<semaphore_mem>> -> memref<1x!tpu.dma_semaphore, #tpu.memory_space<semaphore_mem>>
      %dma_start3A_356 = tpu.memref_squeeze %dma_start3A_355 : memref<1x!tpu.dma_semaphore, #tpu.memory_space<semaphore_mem>> -> memref<!tpu.dma_semaphore, #tpu.memory_space<semaphore_mem>>
      %dma_start3A_357 = arith.constant 0 : i32
      %dma_start3A_358 = tpu.memref_slice %arg4[%add3A_348, %dma_start3A_357] : memref<819200x384xf32, #tpu.memory_space<hbm>> -> memref<64x384xf32, #tpu.memory_space<hbm>>
      %dma_start3A_359 = arith.constant 0 : i32
      %dma_start3A_360 = arith.constant 0 : i32
      %dma_start3A_361 = tpu.memref_slice %arg6[%select_n3A_309, %dma_start3A_359, %dma_start3A_360] : memref<4x64x384xf32, #tpu.memory_space<vmem>> -> memref<1x64x384xf32, #tpu.memory_space<vmem>>
      %dma_start3A_362 = tpu.memref_squeeze %dma_start3A_361 : memref<1x64x384xf32, #tpu.memory_space<vmem>> -> memref<64x384xf32, #tpu.memory_space<vmem>>
      tpu.enqueue_dma source(%dma_start3A_362 : memref<64x384xf32, #tpu.memory_space<vmem>>) target(%dma_start3A_358 : memref<64x384xf32, #tpu.memory_space<hbm>>) target_semaphore(%dma_start3A_356 : memref<!tpu.dma_semaphore, #tpu.memory_space<semaphore_mem>>)
      %mul3A_363 = arith.constant 4 : i32
      %mul3A_364 = arith.muli %scan3A_152, %mul3A_363 : i32
      %add3A_365 = arith.constant 3 : i32
      %add3A_366 = arith.addi %mul3A_364, %add3A_365 : i32
      %jit3A_367 = arith.constant 4 : i32
      %eq3A_368 = arith.constant 0 : i32
      %eq3A_369 = arith.cmpi eq, %jit3A_367, %eq3A_368 : i32
      %jit3A_370 = arith.constant 1 : i32
      %select_n3A_371 = arith.select %eq3A_369, %jit3A_370, %jit3A_367 : i32
      %rem3A_372 = arith.remsi %add3A_366, %select_n3A_371 : i32
      %ne3A_373 = arith.constant 0 : i32
      %ne3A_374 = arith.cmpi ne, %rem3A_372, %ne3A_373 : i32
      %lt3A_375 = arith.constant 0 : i32
      %lt3A_376 = arith.cmpi slt, %rem3A_372, %lt3A_375 : i32
      %lt3A_377 = arith.constant 0 : i32
      %lt3A_378 = arith.cmpi slt, %select_n3A_371, %lt3A_377 : i32
      %ne3A_379 = arith.xori %lt3A_376, %lt3A_378 : i1
      %and3A_380 = arith.andi %ne3A_379, %ne3A_374 : i1
      %add3A_381 = arith.addi %rem3A_372, %select_n3A_371 : i32
      %select_n3A_382 = arith.select %and3A_380, %add3A_381, %rem3A_372 : i32
      %add3A_383 = arith.constant 2 : i32
      %add3A_384 = arith.addi %add3A_366, %add3A_383 : i32
      %jit3A_385 = arith.constant 4 : i32
      %eq3A_386 = arith.constant 0 : i32
      %eq3A_387 = arith.cmpi eq, %jit3A_385, %eq3A_386 : i32
      %jit3A_388 = arith.constant 1 : i32
      %select_n3A_389 = arith.select %eq3A_387, %jit3A_388, %jit3A_385 : i32
      %rem3A_390 = arith.remsi %add3A_384, %select_n3A_389 : i32
      %ne3A_391 = arith.constant 0 : i32
      %ne3A_392 = arith.cmpi ne, %rem3A_390, %ne3A_391 : i32
      %lt3A_393 = arith.constant 0 : i32
      %lt3A_394 = arith.cmpi slt, %rem3A_390, %lt3A_393 : i32
      %lt3A_395 = arith.constant 0 : i32
      %lt3A_396 = arith.cmpi slt, %select_n3A_389, %lt3A_395 : i32
      %ne3A_397 = arith.xori %lt3A_394, %lt3A_396 : i1
      %and3A_398 = arith.andi %ne3A_397, %ne3A_392 : i1
      %add3A_399 = arith.addi %rem3A_390, %select_n3A_389 : i32
      %select_n3A_400 = arith.select %and3A_398, %add3A_399, %rem3A_390 : i32
      %lt3A_401 = arith.constant 400 : i32
      %lt3A_402 = arith.cmpi slt, %add3A_384, %lt3A_401 : i32
      %convert_element_type3A_403 = arith.extui %lt3A_402 : i1 to i32
      %cond3A_404 = arith.constant 0 : i32
      %cond3A_405 = arith.cmpi ne, %convert_element_type3A_403, %cond3A_404 : i32
      scf.if %cond3A_405 {
        %ge3A = arith.constant 4 : i32
        %ge3A_436 = arith.cmpi sge, %add3A_384, %ge3A : i32
        %convert_element_type3A_437 = arith.extui %ge3A_436 : i1 to i32
        %cond3A_438 = arith.constant 0 : i32
        %cond3A_439 = arith.cmpi ne, %convert_element_type3A_437, %cond3A_438 : i32
        scf.if %cond3A_439 {
          %dma_wait3A_475 = arith.constant 0 : i32
          %dma_wait3A_476 = arith.constant 0 : i32
          %dma_wait3A_477 = tpu.memref_slice %arg6[%select_n3A_400, %dma_wait3A_475, %dma_wait3A_476] : memref<4x64x384xf32, #tpu.memory_space<vmem>> -> memref<1x64x384xf32, #tpu.memory_space<vmem>>
          %dma_wait3A_478 = tpu.memref_squeeze %dma_wait3A_477 : memref<1x64x384xf32, #tpu.memory_space<vmem>> -> memref<64x384xf32, #tpu.memory_space<vmem>>
          %dma_wait3A_479 = arith.constant 0 : i32
          %dma_wait3A_480 = tpu.memref_slice %arg4[%mul3A_2, %dma_wait3A_479] : memref<819200x384xf32, #tpu.memory_space<hbm>> -> memref<64x384xf32, #tpu.memory_space<hbm>>
          %dma_wait3A_481 = tpu.memref_slice %arg9[%select_n3A_400] : memref<4x!tpu.dma_semaphore, #tpu.memory_space<semaphore_mem>> -> memref<1x!tpu.dma_semaphore, #tpu.memory_space<semaphore_mem>>
          %dma_wait3A_482 = tpu.memref_squeeze %dma_wait3A_481 : memref<1x!tpu.dma_semaphore, #tpu.memory_space<semaphore_mem>> -> memref<!tpu.dma_semaphore, #tpu.memory_space<semaphore_mem>>
          %dma_wait3A_483 = arith.constant 0 : i32
          %dma_wait3A_484 = tpu.memref_slice %arg4[%mul3A_2, %dma_wait3A_483] : memref<819200x384xf32, #tpu.memory_space<hbm>> -> memref<64x384xf32, #tpu.memory_space<hbm>>
          %dma_wait3A_485 = arith.constant 0 : i32
          %dma_wait3A_486 = arith.constant 0 : i32
          %dma_wait3A_487 = tpu.memref_slice %arg6[%select_n3A_400, %dma_wait3A_485, %dma_wait3A_486] : memref<4x64x384xf32, #tpu.memory_space<vmem>> -> memref<1x64x384xf32, #tpu.memory_space<vmem>>
          %dma_wait3A_488 = tpu.memref_squeeze %dma_wait3A_487 : memref<1x64x384xf32, #tpu.memory_space<vmem>> -> memref<64x384xf32, #tpu.memory_space<vmem>>
          tpu.wait_dma2 semaphore(%dma_wait3A_482 : memref<!tpu.dma_semaphore, #tpu.memory_space<semaphore_mem>>) src(%dma_wait3A_488 : memref<64x384xf32, #tpu.memory_space<vmem>>) dst(%dma_wait3A_484 : memref<64x384xf32, #tpu.memory_space<hbm>>)
        } else {
        }
        %mul3A_440 = arith.constant 64 : i32
        %mul3A_441 = arith.muli %add3A_384, %mul3A_440 : i32
        %add3A_442 = arith.addi %mul3A_2, %mul3A_441 : i32
        %dma_start3A_443 = arith.constant 0 : i32
        %dma_start3A_444 = tpu.memref_slice %arg5[%select_n3A_400, %dma_start3A_443] : memref<4x64xi32, #tpu.memory_space<vmem>> -> memref<1x64xi32, #tpu.memory_space<vmem>>
        %dma_start3A_445 = tpu.memref_squeeze %dma_start3A_444 : memref<1x64xi32, #tpu.memory_space<vmem>> -> memref<64xi32, #tpu.memory_space<vmem>>
        %dma_start3A_446 = tpu.memref_slice %arg3[%add3A_442] : memref<819200xi32, #tpu.memory_space<hbm>> -> memref<64xi32, #tpu.memory_space<hbm>>
        %dma_start3A_447 = tpu.memref_slice %arg7[%select_n3A_400] : memref<4x!tpu.dma_semaphore, #tpu.memory_space<semaphore_mem>> -> memref<1x!tpu.dma_semaphore, #tpu.memory_space<semaphore_mem>>
        %dma_start3A_448 = tpu.memref_squeeze %dma_start3A_447 : memref<1x!tpu.dma_semaphore, #tpu.memory_space<semaphore_mem>> -> memref<!tpu.dma_semaphore, #tpu.memory_space<semaphore_mem>>
        %dma_start3A_449 = arith.constant 0 : i32
        %dma_start3A_450 = tpu.memref_slice %arg5[%select_n3A_400, %dma_start3A_449] : memref<4x64xi32, #tpu.memory_space<vmem>> -> memref<1x64xi32, #tpu.memory_space<vmem>>
        %dma_start3A_451 = tpu.memref_squeeze %dma_start3A_450 : memref<1x64xi32, #tpu.memory_space<vmem>> -> memref<64xi32, #tpu.memory_space<vmem>>
        %dma_start3A_452 = tpu.memref_slice %arg3[%add3A_442] : memref<819200xi32, #tpu.memory_space<hbm>> -> memref<64xi32, #tpu.memory_space<hbm>>
        tpu.enqueue_dma source(%dma_start3A_452 : memref<64xi32, #tpu.memory_space<hbm>>) target(%dma_start3A_451 : memref<64xi32, #tpu.memory_space<vmem>>) target_semaphore(%dma_start3A_448 : memref<!tpu.dma_semaphore, #tpu.memory_space<semaphore_mem>>)
        %dma_wait3A_453 = arith.constant 0 : i32
        %dma_wait3A_454 = tpu.memref_slice %arg5[%select_n3A_400, %dma_wait3A_453] : memref<4x64xi32, #tpu.memory_space<vmem>> -> memref<1x64xi32, #tpu.memory_space<vmem>>
        %dma_wait3A_455 = tpu.memref_squeeze %dma_wait3A_454 : memref<1x64xi32, #tpu.memory_space<vmem>> -> memref<64xi32, #tpu.memory_space<vmem>>
        %dma_wait3A_456 = tpu.memref_slice %arg3[%mul3A_2] : memref<819200xi32, #tpu.memory_space<hbm>> -> memref<64xi32, #tpu.memory_space<hbm>>
        %dma_wait3A_457 = tpu.memref_slice %arg7[%select_n3A_400] : memref<4x!tpu.dma_semaphore, #tpu.memory_space<semaphore_mem>> -> memref<1x!tpu.dma_semaphore, #tpu.memory_space<semaphore_mem>>
        %dma_wait3A_458 = tpu.memref_squeeze %dma_wait3A_457 : memref<1x!tpu.dma_semaphore, #tpu.memory_space<semaphore_mem>> -> memref<!tpu.dma_semaphore, #tpu.memory_space<semaphore_mem>>
        %dma_wait3A_459 = arith.constant 0 : i32
        %dma_wait3A_460 = tpu.memref_slice %arg5[%select_n3A_400, %dma_wait3A_459] : memref<4x64xi32, #tpu.memory_space<vmem>> -> memref<1x64xi32, #tpu.memory_space<vmem>>
        %dma_wait3A_461 = tpu.memref_squeeze %dma_wait3A_460 : memref<1x64xi32, #tpu.memory_space<vmem>> -> memref<64xi32, #tpu.memory_space<vmem>>
        %dma_wait3A_462 = tpu.memref_slice %arg3[%mul3A_2] : memref<819200xi32, #tpu.memory_space<hbm>> -> memref<64xi32, #tpu.memory_space<hbm>>
        tpu.wait_dma2 semaphore(%dma_wait3A_458 : memref<!tpu.dma_semaphore, #tpu.memory_space<semaphore_mem>>) src(%dma_wait3A_462 : memref<64xi32, #tpu.memory_space<hbm>>) dst(%dma_wait3A_461 : memref<64xi32, #tpu.memory_space<vmem>>)
        %dma_start3A_463 = arith.constant 0 : i32
        %dma_start3A_464 = arith.constant 0 : i32
        %dma_start3A_465 = tpu.memref_slice %arg6[%select_n3A_400, %dma_start3A_463, %dma_start3A_464] : memref<4x64x384xf32, #tpu.memory_space<vmem>> -> memref<1x64x384xf32, #tpu.memory_space<vmem>>
        %dma_start3A_466 = tpu.memref_squeeze %dma_start3A_465 : memref<1x64x384xf32, #tpu.memory_space<vmem>> -> memref<64x384xf32, #tpu.memory_space<vmem>>
        %dma_start3A_467 = arith.constant 0 : i32
        %dma_start3A_468 = tpu.memref_slice %arg5[%select_n3A_400, %dma_start3A_467] : memref<4x64xi32, #tpu.memory_space<vmem>> -> memref<1x64xi32, #tpu.memory_space<vmem>>
        %dma_start3A_469 = tpu.memref_squeeze %dma_start3A_468 : memref<1x64xi32, #tpu.memory_space<vmem>> -> memref<64xi32, #tpu.memory_space<vmem>>
        %dma_start3A_470 = arith.constant 0 : i32
        %dma_start3A_471 = arith.constant 0 : i32
        %dma_start3A_472 = tpu.memref_slice %arg2[%dma_start3A_470, %dma_start3A_471] : memref<8021x384xf32, #tpu.memory_space<hbm>> -> memref<8021x384xf32, #tpu.memory_space<hbm>>
        %dma_start3A_473 = tpu.memref_slice %arg8[%select_n3A_400] : memref<4x!tpu.dma_semaphore, #tpu.memory_space<semaphore_mem>> -> memref<1x!tpu.dma_semaphore, #tpu.memory_space<semaphore_mem>>
        %dma_start3A_474 = tpu.memref_squeeze %dma_start3A_473 : memref<1x!tpu.dma_semaphore, #tpu.memory_space<semaphore_mem>> -> memref<!tpu.dma_semaphore, #tpu.memory_space<semaphore_mem>>
        tpu.enqueue_indirect_dma source(%dma_start3A_472 : memref<8021x384xf32, #tpu.memory_space<hbm>>) target(%dma_start3A_466 : memref<64x384xf32, #tpu.memory_space<vmem>>) offsets(%dma_start3A_469 : memref<64xi32, #tpu.memory_space<vmem>>) semaphore(%dma_start3A_474 : memref<!tpu.dma_semaphore, #tpu.memory_space<semaphore_mem>>)
      } else {
      }
      %dma_wait3A_406 = arith.constant 0 : i32
      %dma_wait3A_407 = arith.constant 0 : i32
      %dma_wait3A_408 = arith.constant 0 : i32
      %dma_wait3A_409 = tpu.memref_slice %arg6[%select_n3A_382, %dma_wait3A_407, %dma_wait3A_408] : memref<4x64x384xf32, #tpu.memory_space<vmem>> -> memref<1x64x384xf32, #tpu.memory_space<vmem>>
      %dma_wait3A_410 = tpu.memref_squeeze %dma_wait3A_409 : memref<1x64x384xf32, #tpu.memory_space<vmem>> -> memref<64x384xf32, #tpu.memory_space<vmem>>
      %dma_wait3A_411 = arith.constant 0 : i32
      %dma_wait3A_412 = tpu.memref_slice %arg5[%dma_wait3A_406, %dma_wait3A_411] : memref<4x64xi32, #tpu.memory_space<vmem>> -> memref<1x64xi32, #tpu.memory_space<vmem>>
      %dma_wait3A_413 = tpu.memref_squeeze %dma_wait3A_412 : memref<1x64xi32, #tpu.memory_space<vmem>> -> memref<64xi32, #tpu.memory_space<vmem>>
      %dma_wait3A_414 = arith.constant 0 : i32
      %dma_wait3A_415 = arith.constant 0 : i32
      %dma_wait3A_416 = tpu.memref_slice %arg2[%dma_wait3A_414, %dma_wait3A_415] : memref<8021x384xf32, #tpu.memory_space<hbm>> -> memref<8021x384xf32, #tpu.memory_space<hbm>>
      %dma_wait3A_417 = tpu.memref_slice %arg8[%select_n3A_382] : memref<4x!tpu.dma_semaphore, #tpu.memory_space<semaphore_mem>> -> memref<1x!tpu.dma_semaphore, #tpu.memory_space<semaphore_mem>>
      %dma_wait3A_418 = tpu.memref_squeeze %dma_wait3A_417 : memref<1x!tpu.dma_semaphore, #tpu.memory_space<semaphore_mem>> -> memref<!tpu.dma_semaphore, #tpu.memory_space<semaphore_mem>>
      tpu.wait_indirect_dma semaphore(%dma_wait3A_418 : memref<!tpu.dma_semaphore, #tpu.memory_space<semaphore_mem>>) src(%dma_wait3A_416 : memref<8021x384xf32, #tpu.memory_space<hbm>>) dst(%dma_wait3A_410 : memref<64x384xf32, #tpu.memory_space<vmem>>)
      %mul3A_419 = arith.constant 64 : i32
      %mul3A_420 = arith.muli %add3A_366, %mul3A_419 : i32
      %add3A_421 = arith.addi %mul3A_2, %mul3A_420 : i32
      %dma_start3A_422 = arith.constant 0 : i32
      %dma_start3A_423 = arith.constant 0 : i32
      %dma_start3A_424 = tpu.memref_slice %arg6[%select_n3A_382, %dma_start3A_422, %dma_start3A_423] : memref<4x64x384xf32, #tpu.memory_space<vmem>> -> memref<1x64x384xf32, #tpu.memory_space<vmem>>
      %dma_start3A_425 = tpu.memref_squeeze %dma_start3A_424 : memref<1x64x384xf32, #tpu.memory_space<vmem>> -> memref<64x384xf32, #tpu.memory_space<vmem>>
      %dma_start3A_426 = arith.constant 0 : i32
      %dma_start3A_427 = tpu.memref_slice %arg4[%add3A_421, %dma_start3A_426] : memref<819200x384xf32, #tpu.memory_space<hbm>> -> memref<64x384xf32, #tpu.memory_space<hbm>>
      %dma_start3A_428 = tpu.memref_slice %arg9[%select_n3A_382] : memref<4x!tpu.dma_semaphore, #tpu.memory_space<semaphore_mem>> -> memref<1x!tpu.dma_semaphore, #tpu.memory_space<semaphore_mem>>
      %dma_start3A_429 = tpu.memref_squeeze %dma_start3A_428 : memref<1x!tpu.dma_semaphore, #tpu.memory_space<semaphore_mem>> -> memref<!tpu.dma_semaphore, #tpu.memory_space<semaphore_mem>>
      %dma_start3A_430 = arith.constant 0 : i32
      %dma_start3A_431 = tpu.memref_slice %arg4[%add3A_421, %dma_start3A_430] : memref<819200x384xf32, #tpu.memory_space<hbm>> -> memref<64x384xf32, #tpu.memory_space<hbm>>
      %dma_start3A_432 = arith.constant 0 : i32
      %dma_start3A_433 = arith.constant 0 : i32
      %dma_start3A_434 = tpu.memref_slice %arg6[%select_n3A_382, %dma_start3A_432, %dma_start3A_433] : memref<4x64x384xf32, #tpu.memory_space<vmem>> -> memref<1x64x384xf32, #tpu.memory_space<vmem>>
      %dma_start3A_435 = tpu.memref_squeeze %dma_start3A_434 : memref<1x64x384xf32, #tpu.memory_space<vmem>> -> memref<64x384xf32, #tpu.memory_space<vmem>>
      tpu.enqueue_dma source(%dma_start3A_435 : memref<64x384xf32, #tpu.memory_space<vmem>>) target(%dma_start3A_431 : memref<64x384xf32, #tpu.memory_space<hbm>>) target_semaphore(%dma_start3A_429 : memref<!tpu.dma_semaphore, #tpu.memory_space<semaphore_mem>>)
    }
    %scan3A_87 = arith.constant 100 : i32
    %dma_wait3A_88 = arith.constant 0 : i32
    %dma_wait3A_89 = arith.constant 0 : i32
    %dma_wait3A_90 = arith.constant 0 : i32
    %dma_wait3A_91 = arith.constant 0 : i32
    %dma_wait3A_92 = tpu.memref_slice %arg6[%dma_wait3A_88, %dma_wait3A_90, %dma_wait3A_91] : memref<4x64x384xf32, #tpu.memory_space<vmem>> -> memref<1x64x384xf32, #tpu.memory_space<vmem>>
    %dma_wait3A_93 = tpu.memref_squeeze %dma_wait3A_92 : memref<1x64x384xf32, #tpu.memory_space<vmem>> -> memref<64x384xf32, #tpu.memory_space<vmem>>
    %dma_wait3A_94 = arith.constant 0 : i32
    %dma_wait3A_95 = tpu.memref_slice %arg4[%mul3A_2, %dma_wait3A_94] : memref<819200x384xf32, #tpu.memory_space<hbm>> -> memref<64x384xf32, #tpu.memory_space<hbm>>
    %dma_wait3A_96 = tpu.memref_slice %arg9[%dma_wait3A_89] : memref<4x!tpu.dma_semaphore, #tpu.memory_space<semaphore_mem>> -> memref<1x!tpu.dma_semaphore, #tpu.memory_space<semaphore_mem>>
    %dma_wait3A_97 = tpu.memref_squeeze %dma_wait3A_96 : memref<1x!tpu.dma_semaphore, #tpu.memory_space<semaphore_mem>> -> memref<!tpu.dma_semaphore, #tpu.memory_space<semaphore_mem>>
    %dma_wait3A_98 = arith.constant 0 : i32
    %dma_wait3A_99 = tpu.memref_slice %arg4[%mul3A_2, %dma_wait3A_98] : memref<819200x384xf32, #tpu.memory_space<hbm>> -> memref<64x384xf32, #tpu.memory_space<hbm>>
    %dma_wait3A_100 = arith.constant 0 : i32
    %dma_wait3A_101 = arith.constant 0 : i32
    %dma_wait3A_102 = tpu.memref_slice %arg6[%dma_wait3A_88, %dma_wait3A_100, %dma_wait3A_101] : memref<4x64x384xf32, #tpu.memory_space<vmem>> -> memref<1x64x384xf32, #tpu.memory_space<vmem>>
    %dma_wait3A_103 = tpu.memref_squeeze %dma_wait3A_102 : memref<1x64x384xf32, #tpu.memory_space<vmem>> -> memref<64x384xf32, #tpu.memory_space<vmem>>
    tpu.wait_dma2 semaphore(%dma_wait3A_97 : memref<!tpu.dma_semaphore, #tpu.memory_space<semaphore_mem>>) src(%dma_wait3A_103 : memref<64x384xf32, #tpu.memory_space<vmem>>) dst(%dma_wait3A_99 : memref<64x384xf32, #tpu.memory_space<hbm>>)
    %dma_wait3A_104 = arith.constant 1 : i32
    %dma_wait3A_105 = arith.constant 1 : i32
    %dma_wait3A_106 = arith.constant 0 : i32
    %dma_wait3A_107 = arith.constant 0 : i32
    %dma_wait3A_108 = tpu.memref_slice %arg6[%dma_wait3A_104, %dma_wait3A_106, %dma_wait3A_107] : memref<4x64x384xf32, #tpu.memory_space<vmem>> -> memref<1x64x384xf32, #tpu.memory_space<vmem>>
    %dma_wait3A_109 = tpu.memref_squeeze %dma_wait3A_108 : memref<1x64x384xf32, #tpu.memory_space<vmem>> -> memref<64x384xf32, #tpu.memory_space<vmem>>
    %dma_wait3A_110 = arith.constant 0 : i32
    %dma_wait3A_111 = tpu.memref_slice %arg4[%mul3A_2, %dma_wait3A_110] : memref<819200x384xf32, #tpu.memory_space<hbm>> -> memref<64x384xf32, #tpu.memory_space<hbm>>
    %dma_wait3A_112 = tpu.memref_slice %arg9[%dma_wait3A_105] : memref<4x!tpu.dma_semaphore, #tpu.memory_space<semaphore_mem>> -> memref<1x!tpu.dma_semaphore, #tpu.memory_space<semaphore_mem>>
    %dma_wait3A_113 = tpu.memref_squeeze %dma_wait3A_112 : memref<1x!tpu.dma_semaphore, #tpu.memory_space<semaphore_mem>> -> memref<!tpu.dma_semaphore, #tpu.memory_space<semaphore_mem>>
    %dma_wait3A_114 = arith.constant 0 : i32
    %dma_wait3A_115 = tpu.memref_slice %arg4[%mul3A_2, %dma_wait3A_114] : memref<819200x384xf32, #tpu.memory_space<hbm>> -> memref<64x384xf32, #tpu.memory_space<hbm>>
    %dma_wait3A_116 = arith.constant 0 : i32
    %dma_wait3A_117 = arith.constant 0 : i32
    %dma_wait3A_118 = tpu.memref_slice %arg6[%dma_wait3A_104, %dma_wait3A_116, %dma_wait3A_117] : memref<4x64x384xf32, #tpu.memory_space<vmem>> -> memref<1x64x384xf32, #tpu.memory_space<vmem>>
    %dma_wait3A_119 = tpu.memref_squeeze %dma_wait3A_118 : memref<1x64x384xf32, #tpu.memory_space<vmem>> -> memref<64x384xf32, #tpu.memory_space<vmem>>
    tpu.wait_dma2 semaphore(%dma_wait3A_113 : memref<!tpu.dma_semaphore, #tpu.memory_space<semaphore_mem>>) src(%dma_wait3A_119 : memref<64x384xf32, #tpu.memory_space<vmem>>) dst(%dma_wait3A_115 : memref<64x384xf32, #tpu.memory_space<hbm>>)
    %dma_wait3A_120 = arith.constant 2 : i32
    %dma_wait3A_121 = arith.constant 2 : i32
    %dma_wait3A_122 = arith.constant 0 : i32
    %dma_wait3A_123 = arith.constant 0 : i32
    %dma_wait3A_124 = tpu.memref_slice %arg6[%dma_wait3A_120, %dma_wait3A_122, %dma_wait3A_123] : memref<4x64x384xf32, #tpu.memory_space<vmem>> -> memref<1x64x384xf32, #tpu.memory_space<vmem>>
    %dma_wait3A_125 = tpu.memref_squeeze %dma_wait3A_124 : memref<1x64x384xf32, #tpu.memory_space<vmem>> -> memref<64x384xf32, #tpu.memory_space<vmem>>
    %dma_wait3A_126 = arith.constant 0 : i32
    %dma_wait3A_127 = tpu.memref_slice %arg4[%mul3A_2, %dma_wait3A_126] : memref<819200x384xf32, #tpu.memory_space<hbm>> -> memref<64x384xf32, #tpu.memory_space<hbm>>
    %dma_wait3A_128 = tpu.memref_slice %arg9[%dma_wait3A_121] : memref<4x!tpu.dma_semaphore, #tpu.memory_space<semaphore_mem>> -> memref<1x!tpu.dma_semaphore, #tpu.memory_space<semaphore_mem>>
    %dma_wait3A_129 = tpu.memref_squeeze %dma_wait3A_128 : memref<1x!tpu.dma_semaphore, #tpu.memory_space<semaphore_mem>> -> memref<!tpu.dma_semaphore, #tpu.memory_space<semaphore_mem>>
    %dma_wait3A_130 = arith.constant 0 : i32
    %dma_wait3A_131 = tpu.memref_slice %arg4[%mul3A_2, %dma_wait3A_130] : memref<819200x384xf32, #tpu.memory_space<hbm>> -> memref<64x384xf32, #tpu.memory_space<hbm>>
    %dma_wait3A_132 = arith.constant 0 : i32
    %dma_wait3A_133 = arith.constant 0 : i32
    %dma_wait3A_134 = tpu.memref_slice %arg6[%dma_wait3A_120, %dma_wait3A_132, %dma_wait3A_133] : memref<4x64x384xf32, #tpu.memory_space<vmem>> -> memref<1x64x384xf32, #tpu.memory_space<vmem>>
    %dma_wait3A_135 = tpu.memref_squeeze %dma_wait3A_134 : memref<1x64x384xf32, #tpu.memory_space<vmem>> -> memref<64x384xf32, #tpu.memory_space<vmem>>
    tpu.wait_dma2 semaphore(%dma_wait3A_129 : memref<!tpu.dma_semaphore, #tpu.memory_space<semaphore_mem>>) src(%dma_wait3A_135 : memref<64x384xf32, #tpu.memory_space<vmem>>) dst(%dma_wait3A_131 : memref<64x384xf32, #tpu.memory_space<hbm>>)
    %dma_wait3A_136 = arith.constant 3 : i32
    %dma_wait3A_137 = arith.constant 3 : i32
    %dma_wait3A_138 = arith.constant 0 : i32
    %dma_wait3A_139 = arith.constant 0 : i32
    %dma_wait3A_140 = tpu.memref_slice %arg6[%dma_wait3A_136, %dma_wait3A_138, %dma_wait3A_139] : memref<4x64x384xf32, #tpu.memory_space<vmem>> -> memref<1x64x384xf32, #tpu.memory_space<vmem>>
    %dma_wait3A_141 = tpu.memref_squeeze %dma_wait3A_140 : memref<1x64x384xf32, #tpu.memory_space<vmem>> -> memref<64x384xf32, #tpu.memory_space<vmem>>
    %dma_wait3A_142 = arith.constant 0 : i32
    %dma_wait3A_143 = tpu.memref_slice %arg4[%mul3A_2, %dma_wait3A_142] : memref<819200x384xf32, #tpu.memory_space<hbm>> -> memref<64x384xf32, #tpu.memory_space<hbm>>
    %dma_wait3A_144 = tpu.memref_slice %arg9[%dma_wait3A_137] : memref<4x!tpu.dma_semaphore, #tpu.memory_space<semaphore_mem>> -> memref<1x!tpu.dma_semaphore, #tpu.memory_space<semaphore_mem>>
    %dma_wait3A_145 = tpu.memref_squeeze %dma_wait3A_144 : memref<1x!tpu.dma_semaphore, #tpu.memory_space<semaphore_mem>> -> memref<!tpu.dma_semaphore, #tpu.memory_space<semaphore_mem>>
    %dma_wait3A_146 = arith.constant 0 : i32
    %dma_wait3A_147 = tpu.memref_slice %arg4[%mul3A_2, %dma_wait3A_146] : memref<819200x384xf32, #tpu.memory_space<hbm>> -> memref<64x384xf32, #tpu.memory_space<hbm>>
    %dma_wait3A_148 = arith.constant 0 : i32
    %dma_wait3A_149 = arith.constant 0 : i32
    %dma_wait3A_150 = tpu.memref_slice %arg6[%dma_wait3A_136, %dma_wait3A_148, %dma_wait3A_149] : memref<4x64x384xf32, #tpu.memory_space<vmem>> -> memref<1x64x384xf32, #tpu.memory_space<vmem>>
    %dma_wait3A_151 = tpu.memref_squeeze %dma_wait3A_150 : memref<1x64x384xf32, #tpu.memory_space<vmem>> -> memref<64x384xf32, #tpu.memory_space<vmem>>
    tpu.wait_dma2 semaphore(%dma_wait3A_145 : memref<!tpu.dma_semaphore, #tpu.memory_space<semaphore_mem>>) src(%dma_wait3A_151 : memref<64x384xf32, #tpu.memory_space<vmem>>) dst(%dma_wait3A_147 : memref<64x384xf32, #tpu.memory_space<hbm>>)
    return
  }
}

</mosaic_0001>

<sc_bundles>
// kernel: _embedding_gather.3.cloned.1.call-start
scs
__scs_entry_jumppad:
0x0: {  	(pc) =	sbr.rel $0x88, $3  }
0x1: {  	(tag) =	ssettag $0x0;
	lr =	simm.s32 $0x1  }
0x2: {  	[smem:$0x3F9F] =	sst lr;
	_ =	strace $0xD0000000  }
0x3: {  	_ = 	snop  }
0x4: {  	_ = 	snop  }
0x5: {  	_ = 	snop  }
0x6: {  	_ = 	snop  }
0x7: {  	_ = 	snop  }
__scs_overlays_trampoline_lowered:
0x8: {  	[smem:$0x3FAE] =	sst s0  }
0x9: {  	[smem:$0x3FAF] =	sst s1  }
0xa: {  	[smem:$0x3FB0] =	sst s2  }
0xb: {  	[smem:$0x3FB1] =	sst s3  }
0xc: {  	[smem:$0x3FB2] =	sst s4  }
0xd: {  	[smem:$0x3FB3] =	sst s5  }
0xe: {  	[smem:$0x3FB4] =	sst s6  }
0xf: {  	[smem:$0x3FB5] =	sst s7  }
0x10: {  	[smem:$0x3FB6] =	sst s8  }
0x11: {  	[smem:$0x3FB7] =	sst s9;
	s0 =	simm.s32 @!p0 $0x0  }
0x12: {  	s1 =	sld [smem:$0x3F9D];
	s0 =	simm.s32 @p0 $0x1  }
0x13: {  	[smem:$0x3FB8] =	sst s0;
	s0 =	simm.s32 @!p1 $0x0  }
0x14: {  	s2 =	sld [smem:$0x3F9C];
	s0 =	simm.s32 @p1 $0x1  }
0x15: {  	[smem:$0x3FB9] =	sst s0;
	s0 =	simm.s32 @!p2 $0x0  }
0x16: {  	s3 =	sld [smem:$0x3FDB];
	s0 =	simm.s32 @p2 $0x1  }
0x17: {  	s4 =	simm.s32 $0x1BF5;
	[smem:$0x3FBB] =	sst s0  }
0x18: {  	s0 =	sld [smem:$0x3F9E];
	_ =	swait.ge [sflag:s4], $0x0  }
0x19: {  	s7 =	sld [smem:$0x3F9F]  }
0x1a: {  	s8 =	sadd.s32 $0xFFFFE003, lr  }
0x1b: {  	s9 =	sadd.s32 $0xFFFFFEF7, lr;
	s5 =	simm.s32 $0xFFFFFFFF;
	p2 =	slt.u32 s8, $0xFFFFF086  }
0x1c: {  	p1 =	slt.u32 s9, $0xF7A;
	s5 =	simm.s32 @!p2 $0x0  }
0x1d: {  	s5 =	simm.s32 @p1 $0x1;
	p0 =	seq.s32 s7, s2  }
0x1e: {  	s7 =	smul.u32 @!p0 $0xF7A, s2;
	p2 =	seq.s32 @!p0 s5, $0x0  }
0x1f: {  	s9 =	smul.u32 $0xF7A, s1;
	s8 =	simm.s32 @!p0 $0x1BF5;
	p2 =	por !p2, p0  }
0x20: {  	[sflag:s8] =	ssyncset.s32 @!p0 $0xFFFFF086;
	s6 =	sadd.s32 @!p0 s3, s7;
	s7 =	simm.s32 @!p0 $0x108  }
0x21: {  	s3 =	sadd.s32 s3, s9;
	s6 =	sadd.s32 @!p0 $0x88, s6;
	s7 =	simm.s32 @p2 $0x1082  }
0x22: {  	[simem:s7], [sflag:s8] =	dma.local @!p0 [hbm:s6], $0xF7A  }
0x23: {  	s9 =	sor.u32 $0xD0000000, s2;
	s6 =	simm.s32 $0x108;
	_ =	swait.ge @!p0 [sflag:s8], $0x0  }
0x24: {  	s3 =	sadd.s32 $0x88, s3;
	s6 =	simm.s32 @!p1 $0x1082;
	[sflag:s4] =	ssyncset.s32 $0xFFFFF086  }
0x25: {  	[simem:s6], [sflag:s4] =	dma.local [hbm:s3], $0xF7A  }
0x26: {  	[smem:$0x3F9F] =	sst s1;
	(tag) =	ssettag s2;
	_ =	strace s9  }
0x27: {  	s1 =	sld [smem:$0x3FAF]  }
0x28: {  	s2 =	sld [smem:$0x3FB0]  }
0x29: {  	s4 =	sld [smem:$0x3FB2]  }
0x2a: {  	p0 =	seq.s32 s5, $0x0;
	s5 =	sld [smem:$0x3FB3]  }
0x2b: {  	s6 =	sld [smem:$0x3FB4]  }
0x2c: {  	s7 =	sld [smem:$0x3FB5]  }
0x2d: {  	s3 =	simm.s32 $0x108;
	s8 =	sld [smem:$0x3FB6]  }
0x2e: {  	s3 =	simm.s32 @!p0 $0x1082;
	s9 =	sld [smem:$0x3FB7]  }
0x2f: {  	lr =	sadd.s32 s0, s3;
	s0 =	sld [smem:$0x3FAE]  }
0x30: {  	s3 =	sld [smem:$0x3FB1]  }
0x31: {  	[smem:$0x3FBA] =	sst s10  }
0x32: {  	s10 =	sld [smem:$0x3FB8];
	_ =	sdelay $0x3  }
0x33: {  	p0 =	seq.s32 s10, $0x1;
	s10 =	sld [smem:$0x3FBA];
	_ =	sdelay $0x3  }
0x34: {  	[smem:$0x3FBA] =	sst s10  }
0x35: {  	s10 =	sld [smem:$0x3FB9];
	_ =	sdelay $0x3  }
0x36: {  	p1 =	seq.s32 s10, $0x1;
	s10 =	sld [smem:$0x3FBA];
	_ =	sdelay $0x3  }
0x37: {  	[smem:$0x3FBA] =	sst s10  }
0x38: {  	s10 =	sld [smem:$0x3FBB]  }
0x39: {  	_ = 	snop;
	(pc) =	sbr.ind lr, $3  }
0x3a: {  	_ = 	snop  }
0x3b: {  	_ = 	snop  }
0x3c: {  	p2 =	seq.s32 s10, $0x1;
	s10 =	sld [smem:$0x3FBA]  }
0x3d: {  	_ =	shalt  }
0x3e: {  	_ =	shalt  }
0x3f: {  	_ =	shalt  }
0x40: {  	_ =	shalt  }
0x41: {  	_ =	shalt  }
0x42: {  	_ =	shalt  }
0x43: {  	_ =	shalt  }
0x44: {  	_ =	shalt  }
0x45: {  	_ =	shalt  }
0x46: {  	_ =	shalt  }
0x47: {  	_ =	shalt  }
0x48: {  	_ =	shalt  }
0x49: {  	_ =	shalt  }
0x4a: {  	_ =	shalt  }
0x4b: {  	_ =	shalt  }
0x4c: {  	_ =	shalt  }
0x4d: {  	_ =	shalt  }
0x4e: {  	_ =	shalt  }
0x4f: {  	_ =	shalt  }
0x50: {  	_ =	shalt  }
0x51: {  	_ =	shalt  }
0x52: {  	_ =	shalt  }
0x53: {  	_ =	shalt  }
0x54: {  	_ =	shalt  }
0x55: {  	_ =	shalt  }
0x56: {  	_ =	shalt  }
0x57: {  	_ =	shalt  }
0x58: {  	_ =	shalt  }
0x59: {  	_ =	shalt  }
0x5a: {  	_ =	shalt  }
0x5b: {  	_ =	shalt  }
0x5c: {  	_ =	shalt  }
0x5d: {  	_ =	shalt  }
0x5e: {  	_ =	shalt  }
0x5f: {  	_ =	shalt  }
0x60: {  	_ =	shalt  }
0x61: {  	_ =	shalt  }
0x62: {  	_ =	shalt  }
0x63: {  	_ =	shalt  }
0x64: {  	_ =	shalt  }
0x65: {  	_ =	shalt  }
0x66: {  	_ =	shalt  }
0x67: {  	_ =	shalt  }
0x68: {  	_ =	shalt  }
0x69: {  	_ =	shalt  }
0x6a: {  	_ =	shalt  }
0x6b: {  	_ =	shalt  }
0x6c: {  	_ =	shalt  }
0x6d: {  	_ =	shalt  }
0x6e: {  	_ =	shalt  }
0x6f: {  	_ =	shalt  }
0x70: {  	_ =	shalt  }
0x71: {  	_ =	shalt  }
0x72: {  	_ =	shalt  }
0x73: {  	_ =	shalt  }
0x74: {  	_ =	shalt  }
0x75: {  	_ =	shalt  }
0x76: {  	_ =	shalt  }
0x77: {  	_ =	shalt  }
0x78: {  	_ =	shalt  }
0x79: {  	_ =	shalt  }
0x7a: {  	_ =	shalt  }
0x7b: {  	_ =	shalt  }
0x7c: {  	_ =	shalt  }
0x7d: {  	_ =	shalt  }
0x7e: {  	_ =	shalt  }
0x7f: {  	_ =	shalt  }
0x80: {  	_ =	shalt  }
0x81: {  	_ =	shalt  }
0x82: {  	_ =	shalt  }
0x83: {  	_ =	shalt  }
0x84: {  	_ =	shalt  }
0x85: {  	_ =	shalt  }
0x86: {  	_ =	shalt  }
0x87: {  	_ =	shalt  }
.Lfunc_end0:
.L_simem_size_0:
called_computation_lowered:
.L_overlay_start_0:
0x88: {  	s2 =	sld [smem:$0x3FD9]  }
0x89: {  	s3 =	sld [smem:$0x3FFE];
	_ =	sdelay $0x1  }
0x8a: {  	s1 =	srdreg.scid  }
0x8b: {  	s0 =	sand.u32 $0x1, s1  }
0x8c: {  	s18 =	sshll.u32 s0, $0xA;
	s2 =	sadd.s32 s3, s2  }
0x8d: {  	s2 =	sadd.s32 s2, s18  }
0x8e: {  	[smem:$0x3FC6] =	sst s2  }
0x8f: {  	_ = 	snop  }
0x90: {  	s2 =	sld [smem:$0x3FC9]  }
0x91: {  	s19 =	sld [smem:$0x3FC8]  }
0x92: {  	s4 =	sld [smem:$0x3FD0];
	(tm) =	ssettm $0x1  }
0x93: {  	s5 =	sld [smem:$0x3FFB];
	_ =	sdelay $0x3  }
0x94: {  	_ =	strace s5  }
0x95: {  	s5 =	sld [smem:$0x3FFC];
	_ =	sdelay $0x3  }
0x96: {  	_ =	strace s5  }
0x97: {  	s5 =	sld [smem:$0x3FFD];
	_ =	sdelay $0x3  }
0x98: {  	_ =	strace s5  }
0x99: {  	_ =	strace $0x8FFFFFFF  }
0x9a: {  	s20 =	sld [smem:$0x3FDB];
	_ =	sdelay $0x1  }
0x9b: {  	s6 =	simm.s32 $_scs_section_size  }
0x9c: {  	s7 =	simm.s32 $_size__tile_overlayer_lowered;
	s8 =	simm.s32 $_tile_overlayer_lowered  }
0x9d: {  	s23 =	simm.s32 $0x1BFF;
	s22 =	sshll.u32 s8, $0x1;
	s5 =	sadd.s32 s6, s20  }
0x9e: {  	s9 =	simm.s32 $0x0;
	s21 =	sshll.u32 s7, $0x1;
	s7 =	sadd.s32 s22, s5  }
0x9f: {  	[timem:s9], [sflag:s23] =	dma.local [hbm:s7], s21  }
0xa0: {  	_ =	swait.ge [sflag:s23], s21  }
0xa1: {  	s6 =	ssub.s32 $0x0, s21;
	[sflag:s23] =	ssyncset.done $0x0  }
0xa2: {  	[sflag:s23] =	ssyncadd.s32 s6;
	_ =	sdelay $0x1  }
0xa3: {  	s24 =	simm.s32 $0x1B8B  }
0xa4: {  	_ =	swait.ge [sflag:s24], $0x1  }
0xa5: {  	[sflag:s24] =	ssyncset.done $0x0  }
0xa6: {  	s25 =	simm.s32 $0x1B8E;
	[sflag:s24] =	ssyncadd.s32 $0xFFFFFFFF  }
0xa7: {  	s26 =	simm.s32 $execute0_lowered;
	[smem:$0x3FD2] =	sst s25  }
0xa8: {  	s6 =	sshll.u32 s26, $0x1;
	_ =	strace $0x80000046;
	[dreg:$0x1] =	wrdreg $0xFFFFFFFF  }
0xa9: {  	s28 =	simm.s32 $_size_execute0_lowered;
	s5 =	sadd.s32 s5, s6;
	[dreg:$0x0] =	wrdreg $0x0  }
0xaa: {  	s6 =	sshll.u32 s28, $0x1;
	[dreg:$0x2] =	wrdreg s5  }
0xab: {  	[dreg:$0x3] =	wrdreg s6  }
0xac: {  	[dreg:$0x4] =	wrdreg $0xC0  }
0xad: {  	_ =	task [dreg:s9], $0x5FFFF  }
0xae: {  	[dreg:$0x1] =	wrdreg $0xFFFFFFFF  }
0xaf: {  	[dreg:$0x0] =	wrdreg $0x60  }
0xb0: {  	[dreg:$0x2] =	wrdreg s2  }
0xb1: {  	[dreg:$0x3] =	wrdreg s19  }
0xb2: {  	[dreg:$0x4] =	wrdreg s4  }
0xb3: {  	[dreg:$0x5] =	wrdreg $0x9  }
0xb4: {  	_ =	task.clear_ibuf [dreg:s9], $0x6FFFF;
	_ =	strace $0x90000046  }
0xb5: {  	s29 =	simm.s32 $0x9;
	_ =	strace $0x80000048  }
0xb6: {  	_ =	swait.ge [sflag:s29], $0x1  }
0xb7: {  	[sflag:s29] =	ssyncadd.s32 $0xFFFFFFFF  }
0xb8: {  	_ =	strace $0x90000048  }
0xb9: {  	_ =	sfence  }
0xba: {  	s30 =	sld [smem:$0x0];
	_ =	sdelay $0x2  }
0xbb: {  	s31 =	sshll.u32 s1, $0xD;
	s1 =	sshrl.u32 s1, $0x2  }
0xbc: {  	s3 =	sand.u32 $0x4000, s31;
	s1 =	sadd.s32 s1, s30  }
0xbd: {  	s0 =	sor.u32 s3, s0;
	s1 =	sshll.u32 s1, $0x11  }
0xbe: {  	s0 =	sor.u32 s1, s0  }
0xbf: {  	s0 =	sadd.s32 $0x8F2B, s0  }
0xc0: {  	[sflag:s0] =	ssyncadd.remote.s32 $0x1  }
0xc1: {  	_ =	sfence.sel $0xFFFF  }
0xc2: {  	[dreg:$0x0] =	wrdreg $0xFFFFFFFF;
	(pc) =	sbr.abs _section_cstart, $3  }
0xc3: {  	[dreg:$0x1] =	wrdreg $0xFFFFFFFF  }
0xc4: {  	_ =	task.clear_ibuf [dreg:s9], $0x2FFFF;
	_ =	strace $0x9FFFFFFF  }
0xc5: {  	(tm) =	ssettm $0x7FFFFFFF  }
tec
execute0_lowered:
.L_overlay_start_1:
0x0: {  	(tag) =	ssettag $0x1  }
0x1: {  	s0 =	srdreg.scid;
	s1 =	rddreg [dreg:$0x0]  }
0x2: {  	s6 =	stileid.u32;
	s4 =	rddreg [dreg:$0x1]  }
0x3: {  	s5 =	rddreg [dreg:$0x2];
	s3 =	simm.s32 $0x0;
	s17 =	simm.s32 $0x1  }
0x4: {  	s31 =	simm.s32 $0x3;
	s28 =	simm.s32 $0x5;
	s30 =	simm.s32 $0x4  }
0x5: {  	s0 =	sand.u32 $0x1, s0;
	s2 =	sshll.u32 s6, $0x1;
	s6 =	smul.u32 $0xC800, s6  }
0x6: {  	s29 =	simm.s32 $0x17E00;
	s2 =	sor.u32 s0, s2;
	s7 =	smul.u32 $0x6400, s0  }
0x7: {  	[smem:$0x7FF] =	sst s3;
	s0 =	ssub.s32 $0x2, s0;
	s2 =	smul.u32 $0x6400, s2  }
0x8: {  	s15 =	simm.s32 $0xA;
	_ =	strace $0x80000047;
	s8 =	sshrl.u32 s0, $0x1  }
0x9: {  	s7 =	sadd.s32 s7, s6;
	s0 =	ssub.s32 s0, s8;
	s2 =	sshrl.u32 s2, $0x3  }
0xa: {  	s19 =	sshrl.u32 s7, $0x3;
	s20 =	sor.u32 $0x40, s7;
	s0 =	smax.u32 s0, $0x1  }
0xb: {  	s22 =	sor.u32 $0x80, s7;
	s9 =	sor.u32 $0x100, s7;
	s10 =	sor.u32 $0xC0, s7  }
0xc: {  	s7 =	sor.u32 $0x140, s7;
	s18 =	sadd.s32 s4, s2;
	s2 =	smul.u32 $0x180, s19  }
0xd: {  	[dreg:$0x6] =	wrdreg s0;
	s21 =	sshrl.u32 s20, $0x3;
	s10 =	sshrl.u32 s10, $0x3  }
0xe: {  	s12 =	sshrl.u32 s9, $0x3;
	s7 =	sshrl.u32 s7, $0x3;
	s20 =	simm.s32 $0x0  }
0xf: {  	[dreg:$0x4] =	wrdreg s18;
	s6 =	sadd.s32 $0x8, s18;
	s0 =	smul.u32 $0x180, s21  }
0x10: {  	s13 =	smul.u32 $0x180, s10;
	s23 =	sadd.s32 s12, s4;
	s24 =	sadd.s32 s7, s4  }
0x11: {  	s26 =	sadd.s32 s10, s4;
	s18 =	simm.s32 $0x200;
	[dreg:$0x5] =	wrdreg s6  }
0x12: {  	s7 =	simm.s32 $0x2;
	s10 =	simm.s32 $0x7;
	[dreg:$0x7] =	wrdreg s23  }
0x13: {  	s8 =	sadd.s32 s2, s5;
	s2 =	sshrl.u32 s22, $0x3;
	[dreg:$0x8] =	wrdreg s24  }
0x14: {  	s6 =	sadd.s32 $0x100, s1;
	[dreg:$0xa] =	wrdreg s26;
	s11 =	smul.u32 $0x180, s2  }
.Ltmp0:
0x15: {  	s24 =	simm.s32 $0x100;
	s26 =	simm.s32 $0x17600;
	(pc) =	sbr.rel .LBB2_1-.Ltmp0, $4  }
0x16: {  	s9 =	sadd.s32 s0, s5;
	s25 =	sadd.s32 s2, s4;
	s14 =	sadd.s32 s13, s5  }
0x17: {  	v2 =	vlaneseq.u32;
	s4 =	simm.s32 $0x6200;
	s2 =	simm.s32 $0xC200;
	s0 =	simm.s32 $0x12200  }
0x18: {  	vm0 =	vmmov $0xffff;
	vm1 =	vmmov $0xff;
	v1 =	vshrl.u32 v2, $0x3;
	s13 =	simm.s32 $0x9;
	[dreg:$0x9] =	wrdreg s25;
	s25 =	simm.s32 $0x17200  }
0x19: {  	v0 =	vand.u32 $0x7, v2;
	v2 =	vor.u32 $0x8, v2;
	v1 =	vmul.u32 $0x8, v1;
	s12 =	sadd.s32 s11, s5;
	s5 =	simm.s32 $0x6;
	s11 =	simm.s32 $0x8  }
.LBB2_6:
0x1a: {  	_ =	swait.ge [sflag:s13], $0x6000  }
0x1b: {  	[sflag:s13] =	ssyncset.done $0x0  }
0x1c: {  	[sflag:s13] =	ssyncadd.s32 $0xFFFFA000  }
0x1d: {  	_ =	swait.ge [sflag:s15], $0x6000  }
0x1e: {  	[sflag:s15] =	ssyncset.done $0x0  }
0x1f: {  	s16 =	simm.s32 $0xB;
	[sflag:s15] =	ssyncadd.s32 $0xFFFFA000  }
0x20: {  	_ =	swait.ge [sflag:s16], $0x6000  }
0x21: {  	[sflag:s16] =	ssyncset.done $0x0  }
0x22: {  	s19 =	simm.s32 $0xC;
	[sflag:s16] =	ssyncadd.s32 $0xFFFFA000  }
0x23: {  	_ =	swait.ge [sflag:s19], $0x6000  }
0x24: {  	s20 =	rddreg [dreg:$0xb]  }
0x25: {  	s23 =	rddreg [dreg:$0x6];
	s20 =	sadd.s32 $0x1, s20  }
0x26: {  	p0 =	sne.s32 s20, s23  }
.Ltmp1:
0x27: {  	_ = 	snop;
	(pc) =	sbr.rel @!p0 .LBB2_7-.Ltmp1, $3  }
0x28: {  	_ =	sdelay $0x1  }
0x29: {  	[sflag:s19] =	ssyncset.done $0x0  }
0x2a: {  	[sflag:s19] =	ssyncadd.s32 $0xFFFFA000  }
.LBB2_1:
0x2b: {  	[dreg:$0xb] =	wrdreg s20  }
0x2c: {  	s16 =	rddreg [dreg:$0x4]  }
0x2d: {  	[tilespmem:s3], [sflag:$0x1] =	stream.linear.gather [hbm4b:s16+s3], $0x40, $0x38;
	[tilespmem:$0x18200] =	vst v63  }
0x2e: {  	s23 =	rddreg [dreg:$0x5];
	s19 =	simm.s32 $0x80  }
0x2f: {  	[tilespmem:s19], [sflag:$0x2] =	stream.linear.gather [hbm4b:s23+s3], $0x40, $0x38;
	[tilespmem:$0x18200] =	vst v63  }
0x30: {  	_ =	swait.ge [sflag:s17], $0x40  }
0x31: {  	[sflag:s17] =	ssyncset.done $0x0  }
0x32: {  	[sflag:s17] =	ssyncadd.s32 $0xFFFFFFC0  }
0x33: {  	v3 =	vld [tilespmem:$0x0];
	_ =	sdelay $0x4  }
0x34: {  	v4 =	vshrl.u32 v3, $0x3  }
0x35: {  	v4 =	vmul.u32 $0x18, v4  }
0x36: {  	v3 =	vand.u32 $0x7, v3  }
0x37: {  	v3 =	vor.u32 v3, v4  }
0x38: {  	v4 =	vperm.xlane v3, v0;
	_ =	sdelay $0x1  }
0x39: {  	v4 =	vadd.s32 v1, v4;
	_ =	sdelay $0x1  }
0x3a: {  	v3 =	vperm.xlane v3, v2;
	_ =	sdelay $0x1  }
0x3b: {  	v3 =	vadd.s32 v1, v3  }
0x3c: {  	[tilespmem:s18], [sflag:$0x5] =	stream.indirect_vreg.gather [hbm4b:s1+s3], $0x80, v4, vm0, $0xb8;
	[tilespmem:$0x18200] =	vst v63  }
0x3d: {  	s19 =	simm.s32 $0xA00  }
0x3e: {  	[tilespmem:s19], [sflag:$0x5] =	stream.indirect_vreg.gather [hbm4b:s6+s3], $0x80, v4, vm1, $0xb8;
	[tilespmem:$0x18200] =	vst v63  }
0x3f: {  	s20 =	simm.s32 $0xE00  }
0x40: {  	[tilespmem:s20], [sflag:$0x5] =	stream.indirect_vreg.gather [hbm4b:s1+s3], $0x80, v3, vm0, $0xb8;
	[tilespmem:$0x18200] =	vst v63  }
0x41: {  	s21 =	simm.s32 $0x1600  }
0x42: {  	[tilespmem:s21], [sflag:$0x5] =	stream.indirect_vreg.gather [hbm4b:s6+s3], $0x80, v3, vm1, $0xb8;
	[tilespmem:$0x18200] =	vst v63  }
0x43: {  	v3 =	vld [tilespmem:$0x10];
	_ =	sdelay $0x4  }
0x44: {  	v57 =	vshrl.u32 v3, $0x3  }
0x45: {  	v4 =	vmul.u32 $0x18, v57  }
0x46: {  	v3 =	vand.u32 $0x7, v3  }
0x47: {  	v3 =	vor.u32 v3, v4  }
0x48: {  	v4 =	vperm.xlane v3, v0;
	_ =	sdelay $0x1  }
0x49: {  	v4 =	vadd.s32 v1, v4;
	_ =	sdelay $0x1  }
0x4a: {  	v3 =	vperm.xlane v3, v2;
	_ =	sdelay $0x1  }
0x4b: {  	s22 =	simm.s32 $0x1A00;
	v3 =	vadd.s32 v1, v3  }
0x4c: {  	[tilespmem:s22], [sflag:$0x5] =	stream.indirect_vreg.gather [hbm4b:s1+s3], $0x80, v4, vm0, $0xb8;
	[tilespmem:$0x18200] =	vst v63  }
0x4d: {  	s23 =	simm.s32 $0x2200  }
0x4e: {  	[tilespmem:s23], [sflag:$0x5] =	stream.indirect_vreg.gather [hbm4b:s6+s3], $0x80, v4, vm1, $0xb8;
	[tilespmem:$0x18200] =	vst v63  }
0x4f: {  	s19 =	simm.s32 $0x2600  }
0x50: {  	[tilespmem:s19], [sflag:$0x5] =	stream.indirect_vreg.gather [hbm4b:s1+s3], $0x80, v3, vm0, $0xb8;
	[tilespmem:$0x18200] =	vst v63  }
0x51: {  	s20 =	simm.s32 $0x2E00  }
0x52: {  	[tilespmem:s20], [sflag:$0x5] =	stream.indirect_vreg.gather [hbm4b:s6+s3], $0x80, v3, vm1, $0xb8;
	[tilespmem:$0x18200] =	vst v63  }
0x53: {  	v3 =	vld [tilespmem:$0x20];
	_ =	sdelay $0x4  }
0x54: {  	v58 =	vshrl.u32 v3, $0x3  }
0x55: {  	v4 =	vmul.u32 $0x18, v58  }
0x56: {  	v3 =	vand.u32 $0x7, v3  }
0x57: {  	v3 =	vor.u32 v3, v4  }
0x58: {  	v4 =	vperm.xlane v3, v0;
	_ =	sdelay $0x1  }
0x59: {  	v4 =	vadd.s32 v1, v4;
	_ =	sdelay $0x1  }
0x5a: {  	v3 =	vperm.xlane v3, v2;
	_ =	sdelay $0x1  }
0x5b: {  	s21 =	simm.s32 $0x3200;
	v3 =	vadd.s32 v1, v3  }
0x5c: {  	[tilespmem:s21], [sflag:$0x5] =	stream.indirect_vreg.gather [hbm4b:s1+s3], $0x80, v4, vm0, $0xb8;
	[tilespmem:$0x18200] =	vst v63  }
0x5d: {  	s22 =	simm.s32 $0x3A00  }
0x5e: {  	[tilespmem:s22], [sflag:$0x5] =	stream.indirect_vreg.gather [hbm4b:s6+s3], $0x80, v4, vm1, $0xb8;
	[tilespmem:$0x18200] =	vst v63  }
0x5f: {  	s23 =	simm.s32 $0x3E00  }
0x60: {  	[tilespmem:s23], [sflag:$0x5] =	stream.indirect_vreg.gather [hbm4b:s1+s3], $0x80, v3, vm0, $0xb8;
	[tilespmem:$0x18200] =	vst v63  }
0x61: {  	s19 =	simm.s32 $0x4600  }
0x62: {  	[tilespmem:s19], [sflag:$0x5] =	stream.indirect_vreg.gather [hbm4b:s6+s3], $0x80, v3, vm1, $0xb8;
	[tilespmem:$0x18200] =	vst v63  }
0x63: {  	v3 =	vld [tilespmem:$0x30];
	_ =	sdelay $0x4  }
0x64: {  	v59 =	vshrl.u32 v3, $0x3  }
0x65: {  	v4 =	vmul.u32 $0x18, v59  }
0x66: {  	v3 =	vand.u32 $0x7, v3  }
0x67: {  	v3 =	vor.u32 v3, v4  }
0x68: {  	v4 =	vperm.xlane v3, v0;
	_ =	sdelay $0x1  }
0x69: {  	v4 =	vadd.s32 v1, v4;
	_ =	sdelay $0x1  }
0x6a: {  	v3 =	vperm.xlane v3, v2;
	_ =	sdelay $0x1  }
0x6b: {  	s20 =	simm.s32 $0x4A00;
	v3 =	vadd.s32 v1, v3  }
0x6c: {  	[tilespmem:s20], [sflag:$0x5] =	stream.indirect_vreg.gather [hbm4b:s1+s3], $0x80, v4, vm0, $0xb8;
	[tilespmem:$0x18200] =	vst v63  }
0x6d: {  	s21 =	simm.s32 $0x5200  }
0x6e: {  	[tilespmem:s21], [sflag:$0x5] =	stream.indirect_vreg.gather [hbm4b:s6+s3], $0x80, v4, vm1, $0xb8;
	[tilespmem:$0x18200] =	vst v63  }
0x6f: {  	s22 =	simm.s32 $0x5600  }
0x70: {  	[tilespmem:s22], [sflag:$0x5] =	stream.indirect_vreg.gather [hbm4b:s1+s3], $0x80, v3, vm0, $0xb8;
	[tilespmem:$0x18200] =	vst v63  }
0x71: {  	s23 =	simm.s32 $0x5E00  }
0x72: {  	[tilespmem:s23], [sflag:$0x5] =	stream.indirect_vreg.gather [hbm4b:s6+s3], $0x80, v3, vm1, $0xb8;
	[tilespmem:$0x18200] =	vst v63  }
0x73: {  	_ =	swait.ge [sflag:s7], $0x40  }
0x74: {  	[sflag:s7] =	ssyncset.done $0x0  }
0x75: {  	[sflag:s7] =	ssyncadd.s32 $0xFFFFFFC0  }
0x76: {  	v3 =	vld [tilespmem:$0x80];
	_ =	sdelay $0x4  }
0x77: {  	v60 =	vshrl.u32 v3, $0x3  }
0x78: {  	v4 =	vmul.u32 $0x18, v60  }
0x79: {  	v3 =	vand.u32 $0x7, v3  }
0x7a: {  	v3 =	vor.u32 v3, v4  }
0x7b: {  	v4 =	vperm.xlane v3, v0;
	_ =	sdelay $0x1  }
0x7c: {  	v4 =	vadd.s32 v1, v4;
	_ =	sdelay $0x1  }
0x7d: {  	v3 =	vperm.xlane v3, v2;
	_ =	sdelay $0x1  }
0x7e: {  	v3 =	vadd.s32 v1, v3  }
0x7f: {  	[tilespmem:s4], [sflag:$0x6] =	stream.indirect_vreg.gather [hbm4b:s1+s3], $0x80, v4, vm0, $0xb8;
	[tilespmem:$0x18200] =	vst v63  }
0x80: {  	s19 =	simm.s32 $0x6A00  }
0x81: {  	[tilespmem:s19], [sflag:$0x6] =	stream.indirect_vreg.gather [hbm4b:s6+s3], $0x80, v4, vm1, $0xb8;
	[tilespmem:$0x18200] =	vst v63  }
0x82: {  	s20 =	simm.s32 $0x6E00  }
0x83: {  	[tilespmem:s20], [sflag:$0x6] =	stream.indirect_vreg.gather [hbm4b:s1+s3], $0x80, v3, vm0, $0xb8;
	[tilespmem:$0x18200] =	vst v63  }
0x84: {  	s21 =	simm.s32 $0x7600  }
0x85: {  	[tilespmem:s21], [sflag:$0x6] =	stream.indirect_vreg.gather [hbm4b:s6+s3], $0x80, v3, vm1, $0xb8;
	[tilespmem:$0x18200] =	vst v63  }
0x86: {  	v3 =	vld [tilespmem:$0x90];
	_ =	sdelay $0x4  }
0x87: {  	v61 =	vshrl.u32 v3, $0x3  }
0x88: {  	v4 =	vmul.u32 $0x18, v61  }
0x89: {  	v3 =	vand.u32 $0x7, v3  }
0x8a: {  	v3 =	vor.u32 v3, v4  }
0x8b: {  	v4 =	vperm.xlane v3, v0;
	_ =	sdelay $0x1  }
0x8c: {  	v4 =	vadd.s32 v1, v4;
	_ =	sdelay $0x1  }
0x8d: {  	v3 =	vperm.xlane v3, v2;
	_ =	sdelay $0x1  }
0x8e: {  	s22 =	simm.s32 $0x7A00;
	v3 =	vadd.s32 v1, v3  }
0x8f: {  	[tilespmem:s22], [sflag:$0x6] =	stream.indirect_vreg.gather [hbm4b:s1+s3], $0x80, v4, vm0, $0xb8;
	[tilespmem:$0x18200] =	vst v63  }
0x90: {  	s23 =	simm.s32 $0x8200  }
0x91: {  	[tilespmem:s23], [sflag:$0x6] =	stream.indirect_vreg.gather [hbm4b:s6+s3], $0x80, v4, vm1, $0xb8;
	[tilespmem:$0x18200] =	vst v63  }
0x92: {  	s19 =	simm.s32 $0x8600  }
0x93: {  	[tilespmem:s19], [sflag:$0x6] =	stream.indirect_vreg.gather [hbm4b:s1+s3], $0x80, v3, vm0, $0xb8;
	[tilespmem:$0x18200] =	vst v63  }
0x94: {  	s20 =	simm.s32 $0x8E00  }
0x95: {  	[tilespmem:s20], [sflag:$0x6] =	stream.indirect_vreg.gather [hbm4b:s6+s3], $0x80, v3, vm1, $0xb8;
	[tilespmem:$0x18200] =	vst v63  }
0x96: {  	v3 =	vld [tilespmem:$0xA0];
	_ =	sdelay $0x4  }
0x97: {  	v62 =	vshrl.u32 v3, $0x3  }
0x98: {  	v4 =	vmul.u32 $0x18, v62  }
0x99: {  	v3 =	vand.u32 $0x7, v3  }
0x9a: {  	v3 =	vor.u32 v3, v4  }
0x9b: {  	v4 =	vperm.xlane v3, v0;
	_ =	sdelay $0x1  }
0x9c: {  	v4 =	vadd.s32 v1, v4;
	_ =	sdelay $0x1  }
0x9d: {  	v3 =	vperm.xlane v3, v2;
	_ =	sdelay $0x1  }
0x9e: {  	s21 =	simm.s32 $0x9200;
	v3 =	vadd.s32 v1, v3  }
0x9f: {  	[tilespmem:s21], [sflag:$0x6] =	stream.indirect_vreg.gather [hbm4b:s1+s3], $0x80, v4, vm0, $0xb8;
	[tilespmem:$0x18200] =	vst v63  }
0xa0: {  	s22 =	simm.s32 $0x9A00  }
0xa1: {  	[tilespmem:s22], [sflag:$0x6] =	stream.indirect_vreg.gather [hbm4b:s6+s3], $0x80, v4, vm1, $0xb8;
	[tilespmem:$0x18200] =	vst v63  }
0xa2: {  	s23 =	simm.s32 $0x9E00  }
0xa3: {  	[tilespmem:s23], [sflag:$0x6] =	stream.indirect_vreg.gather [hbm4b:s1+s3], $0x80, v3, vm0, $0xb8;
	[tilespmem:$0x18200] =	vst v63  }
0xa4: {  	s19 =	simm.s32 $0xA600  }
0xa5: {  	[tilespmem:s19], [sflag:$0x6] =	stream.indirect_vreg.gather [hbm4b:s6+s3], $0x80, v3, vm1, $0xb8;
	[tilespmem:$0x18200] =	vst v63  }
0xa6: {  	v3 =	vld [tilespmem:$0xB0];
	_ =	sdelay $0x4  }
0xa7: {  	v63 =	vshrl.u32 v3, $0x3  }
0xa8: {  	v4 =	vmul.u32 $0x18, v63  }
0xa9: {  	v3 =	vand.u32 $0x7, v3  }
0xaa: {  	v3 =	vor.u32 v3, v4  }
0xab: {  	v4 =	vperm.xlane v3, v0;
	_ =	sdelay $0x1  }
0xac: {  	v4 =	vadd.s32 v1, v4;
	_ =	sdelay $0x2  }
0xad: {  	v3 =	vperm.xlane v3, v2  }
0xae: {  	s20 =	simm.s32 $0xAA00  }
0xaf: {  	v3 =	vadd.s32 v1, v3;
	[tilespmem:s20], [sflag:$0x6] =	stream.indirect_vreg.gather [hbm4b:s1+s3], $0x80, v4, vm0, $0xb8;
	[tilespmem:$0x18200] =	vst v63  }
0xb0: {  	s16 =	rddreg [dreg:$0xa];
	s21 =	simm.s32 $0xB200  }
0xb1: {  	[tilespmem:s21], [sflag:$0x6] =	stream.indirect_vreg.gather [hbm4b:s6+s3], $0x80, v4, vm1, $0xb8;
	[tilespmem:$0x18200] =	vst v63  }
.Ltmp2:
0xb2: {  	s19 =	rddreg [dreg:$0x9];
	(pc) =	sbr.rel .LBB2_2-.Ltmp2, $4  }
0xb3: {  	s22 =	simm.s32 $0xB600;
	s20 =	rddreg [dreg:$0x8]  }
0xb4: {  	[tilespmem:s22], [sflag:$0x6] =	stream.indirect_vreg.gather [hbm4b:s1+s3], $0x80, v3, vm0, $0xb8;
	[tilespmem:$0x18200] =	vst v63  }
0xb5: {  	s23 =	simm.s32 $0xBE00;
	s21 =	rddreg [dreg:$0x7];
	s22 =	simm.s32 $0x0  }
0xb6: {  	[tilespmem:s23], [sflag:$0x6] =	stream.indirect_vreg.gather [hbm4b:s6+s3], $0x80, v3, vm1, $0xb8;
	[tilespmem:$0x18200] =	vst v63  }
.LBB2_4:
0xb7: {  	_ =	swait.ge [sflag:s10], $0x6000  }
0xb8: {  	[sflag:s10] =	ssyncset.done $0x0  }
0xb9: {  	[sflag:s10] =	ssyncadd.s32 $0xFFFFA000  }
0xba: {  	[hbm4b:s23+s3] =	stream.linear.scatter [tilespmem:s2], [sflag:$0xB], $0x6000, $0x38;
	[tilespmem:$0x18200] =	vst v63  }
.LBB2_5:
0xbb: {  	s23 =	sadd.s32 s22, s14;
	s22 =	sadd.s32 $0x3000, s22  }
0xbc: {  	p0 =	sne.s32 s22, $0x12C000  }
.Ltmp3:
0xbd: {  	_ = 	snop;
	(pc) =	sbr.rel @!p0 .LBB2_6-.Ltmp3, $4  }
0xbe: {  	_ =	swait.ge [sflag:s11], $0x6000  }
0xbf: {  	s21 =	sadd.s32 $0x20, s21;
	s20 =	sadd.s32 $0x20, s20;
	[sflag:s11] =	ssyncset.done $0x0  }
0xc0: {  	s19 =	sadd.s32 $0x20, s19;
	s16 =	sadd.s32 $0x20, s16;
	[sflag:s11] =	ssyncadd.s32 $0xFFFFA000  }
0xc1: {  	[hbm4b:s23+s3] =	stream.linear.scatter [tilespmem:s0], [sflag:$0xC], $0x6000, $0x38;
	[tilespmem:$0x18200] =	vst v63  }
.LBB2_2:
0xc2: {  	p0 =	seq.s32 s22, $0x0  }
0xc3: {  	s23 =	simm.s32 @!p0 $0xB  }
0xc4: {  	_ =	swait.ge @!p0 [sflag:s23], $0x6000  }
0xc5: {  	[sflag:s23] =	ssyncset.done @!p0 $0x0  }
0xc6: {  	[sflag:s23] =	ssyncadd.s32 @!p0 $0xFFFFA000  }
0xc7: {  	[tilespmem:s24], [sflag:$0x3] =	stream.linear.gather [hbm4b:s19+s3], $0x40, $0x38;
	[tilespmem:$0x18200] =	vst v63  }
0xc8: {  	_ =	swait.ge [sflag:s31], $0x40  }
0xc9: {  	[sflag:s31] =	ssyncset.done $0x0  }
0xca: {  	[sflag:s31] =	ssyncadd.s32 $0xFFFFFFC0  }
0xcb: {  	v3 =	vld [tilespmem:$0x100];
	_ =	sdelay $0x4  }
0xcc: {  	v4 =	vshrl.u32 v3, $0x3  }
0xcd: {  	v4 =	vmul.u32 $0x18, v4  }
0xce: {  	v3 =	vand.u32 $0x7, v3  }
0xcf: {  	v3 =	vor.u32 v3, v4  }
0xd0: {  	v4 =	vperm.xlane v3, v0;
	_ =	sdelay $0x1  }
0xd1: {  	v4 =	vadd.s32 v1, v4;
	_ =	sdelay $0x1  }
0xd2: {  	v3 =	vperm.xlane v3, v2;
	_ =	sdelay $0x1  }
0xd3: {  	v3 =	vadd.s32 v1, v3  }
0xd4: {  	[tilespmem:s2], [sflag:$0x7] =	stream.indirect_vreg.gather [hbm4b:s1+s3], $0x80, v4, vm0, $0xb8;
	[tilespmem:$0x18200] =	vst v63  }
0xd5: {  	s23 =	simm.s32 $0xCA00  }
0xd6: {  	[tilespmem:s23], [sflag:$0x7] =	stream.indirect_vreg.gather [hbm4b:s6+s3], $0x80, v4, vm1, $0xb8;
	[tilespmem:$0x18200] =	vst v63  }
0xd7: {  	s23 =	simm.s32 $0xCE00  }
0xd8: {  	[tilespmem:s23], [sflag:$0x7] =	stream.indirect_vreg.gather [hbm4b:s1+s3], $0x80, v3, vm0, $0xb8;
	[tilespmem:$0x18200] =	vst v63  }
0xd9: {  	s23 =	simm.s32 $0xD600  }
0xda: {  	[tilespmem:s23], [sflag:$0x7] =	stream.indirect_vreg.gather [hbm4b:s6+s3], $0x80, v3, vm1, $0xb8;
	[tilespmem:$0x18200] =	vst v63  }
0xdb: {  	v3 =	vld [tilespmem:$0x110];
	_ =	sdelay $0x4  }
0xdc: {  	v57 =	vshrl.u32 v3, $0x3  }
0xdd: {  	v4 =	vmul.u32 $0x18, v57  }
0xde: {  	v3 =	vand.u32 $0x7, v3  }
0xdf: {  	v3 =	vor.u32 v3, v4  }
0xe0: {  	v4 =	vperm.xlane v3, v0;
	_ =	sdelay $0x1  }
0xe1: {  	v4 =	vadd.s32 v1, v4;
	_ =	sdelay $0x1  }
0xe2: {  	v3 =	vperm.xlane v3, v2;
	_ =	sdelay $0x1  }
0xe3: {  	s23 =	simm.s32 $0xDA00;
	v3 =	vadd.s32 v1, v3  }
0xe4: {  	[tilespmem:s23], [sflag:$0x7] =	stream.indirect_vreg.gather [hbm4b:s1+s3], $0x80, v4, vm0, $0xb8;
	[tilespmem:$0x18200] =	vst v63  }
0xe5: {  	s23 =	simm.s32 $0xE200  }
0xe6: {  	[tilespmem:s23], [sflag:$0x7] =	stream.indirect_vreg.gather [hbm4b:s6+s3], $0x80, v4, vm1, $0xb8;
	[tilespmem:$0x18200] =	vst v63  }
0xe7: {  	s23 =	simm.s32 $0xE600  }
0xe8: {  	[tilespmem:s23], [sflag:$0x7] =	stream.indirect_vreg.gather [hbm4b:s1+s3], $0x80, v3, vm0, $0xb8;
	[tilespmem:$0x18200] =	vst v63  }
0xe9: {  	s23 =	simm.s32 $0xEE00  }
0xea: {  	[tilespmem:s23], [sflag:$0x7] =	stream.indirect_vreg.gather [hbm4b:s6+s3], $0x80, v3, vm1, $0xb8;
	[tilespmem:$0x18200] =	vst v63  }
0xeb: {  	v3 =	vld [tilespmem:$0x120];
	_ =	sdelay $0x4  }
0xec: {  	v58 =	vshrl.u32 v3, $0x3  }
0xed: {  	v4 =	vmul.u32 $0x18, v58  }
0xee: {  	v3 =	vand.u32 $0x7, v3  }
0xef: {  	v3 =	vor.u32 v3, v4  }
0xf0: {  	v4 =	vperm.xlane v3, v0;
	_ =	sdelay $0x1  }
0xf1: {  	v4 =	vadd.s32 v1, v4;
	_ =	sdelay $0x1  }
0xf2: {  	v3 =	vperm.xlane v3, v2;
	_ =	sdelay $0x1  }
0xf3: {  	s23 =	simm.s32 $0xF200;
	v3 =	vadd.s32 v1, v3  }
0xf4: {  	[tilespmem:s23], [sflag:$0x7] =	stream.indirect_vreg.gather [hbm4b:s1+s3], $0x80, v4, vm0, $0xb8;
	[tilespmem:$0x18200] =	vst v63  }
0xf5: {  	s23 =	simm.s32 $0xFA00  }
0xf6: {  	[tilespmem:s23], [sflag:$0x7] =	stream.indirect_vreg.gather [hbm4b:s6+s3], $0x80, v4, vm1, $0xb8;
	[tilespmem:$0x18200] =	vst v63  }
0xf7: {  	s23 =	simm.s32 $0xFE00  }
0xf8: {  	[tilespmem:s23], [sflag:$0x7] =	stream.indirect_vreg.gather [hbm4b:s1+s3], $0x80, v3, vm0, $0xb8;
	[tilespmem:$0x18200] =	vst v63  }
0xf9: {  	s23 =	simm.s32 $0x10600  }
0xfa: {  	[tilespmem:s23], [sflag:$0x7] =	stream.indirect_vreg.gather [hbm4b:s6+s3], $0x80, v3, vm1, $0xb8;
	[tilespmem:$0x18200] =	vst v63  }
0xfb: {  	v3 =	vld [tilespmem:$0x130];
	_ =	sdelay $0x4  }
0xfc: {  	v59 =	vshrl.u32 v3, $0x3  }
0xfd: {  	v4 =	vmul.u32 $0x18, v59  }
0xfe: {  	v3 =	vand.u32 $0x7, v3  }
0xff: {  	v3 =	vor.u32 v3, v4  }
0x100: {  	v4 =	vperm.xlane v3, v0;
	_ =	sdelay $0x1  }
0x101: {  	v4 =	vadd.s32 v1, v4;
	_ =	sdelay $0x1  }
0x102: {  	v3 =	vperm.xlane v3, v2;
	_ =	sdelay $0x1  }
0x103: {  	s23 =	simm.s32 $0x10A00;
	v3 =	vadd.s32 v1, v3  }
0x104: {  	[tilespmem:s23], [sflag:$0x7] =	stream.indirect_vreg.gather [hbm4b:s1+s3], $0x80, v4, vm0, $0xb8;
	[tilespmem:$0x18200] =	vst v63  }
0x105: {  	s23 =	simm.s32 $0x11200  }
0x106: {  	[tilespmem:s23], [sflag:$0x7] =	stream.indirect_vreg.gather [hbm4b:s6+s3], $0x80, v4, vm1, $0xb8;
	[tilespmem:$0x18200] =	vst v63  }
0x107: {  	s23 =	simm.s32 $0x11600  }
0x108: {  	[tilespmem:s23], [sflag:$0x7] =	stream.indirect_vreg.gather [hbm4b:s1+s3], $0x80, v3, vm0, $0xb8;
	[tilespmem:$0x18200] =	vst v63  }
0x109: {  	s23 =	simm.s32 $0x11E00  }
0x10a: {  	[tilespmem:s23], [sflag:$0x7] =	stream.indirect_vreg.gather [hbm4b:s6+s3], $0x80, v3, vm1, $0xb8;
	[tilespmem:$0x18200] =	vst v63  }
0x10b: {  	_ =	swait.ge [sflag:s28], $0x6000  }
0x10c: {  	[sflag:s28] =	ssyncset.done $0x0  }
0x10d: {  	s23 =	sadd.s32 s22, s8;
	[sflag:s28] =	ssyncadd.s32 $0xFFFFA000  }
0x10e: {  	[hbm4b:s23+s3] =	stream.linear.scatter [tilespmem:s18], [sflag:$0x9], $0x6000, $0x38;
	[tilespmem:$0x18200] =	vst v63  }
0x10f: {  	s23 =	simm.s32 @!p0 $0xC  }
0x110: {  	_ =	swait.ge @!p0 [sflag:s23], $0x6000  }
0x111: {  	[sflag:s23] =	ssyncset.done @!p0 $0x0  }
0x112: {  	[sflag:s23] =	ssyncadd.s32 @!p0 $0xFFFFA000;
	s23 =	simm.s32 $0x180  }
0x113: {  	[tilespmem:s23], [sflag:$0x4] =	stream.linear.gather [hbm4b:s16+s3], $0x40, $0x38;
	[tilespmem:$0x18200] =	vst v63  }
0x114: {  	_ =	swait.ge [sflag:s30], $0x40  }
0x115: {  	[sflag:s30] =	ssyncset.done $0x0  }
0x116: {  	[sflag:s30] =	ssyncadd.s32 $0xFFFFFFC0  }
0x117: {  	v3 =	vld [tilespmem:$0x180];
	_ =	sdelay $0x4  }
0x118: {  	v60 =	vshrl.u32 v3, $0x3  }
0x119: {  	v4 =	vmul.u32 $0x18, v60  }
0x11a: {  	v3 =	vand.u32 $0x7, v3  }
0x11b: {  	v3 =	vor.u32 v3, v4  }
0x11c: {  	v4 =	vperm.xlane v3, v0;
	_ =	sdelay $0x1  }
0x11d: {  	v4 =	vadd.s32 v1, v4;
	_ =	sdelay $0x1  }
0x11e: {  	v3 =	vperm.xlane v3, v2;
	_ =	sdelay $0x1  }
0x11f: {  	v3 =	vadd.s32 v1, v3  }
0x120: {  	[tilespmem:s0], [sflag:$0x8] =	stream.indirect_vreg.gather [hbm4b:s1+s3], $0x80, v4, vm0, $0xb8;
	[tilespmem:$0x18200] =	vst v63  }
0x121: {  	s23 =	simm.s32 $0x12A00  }
0x122: {  	[tilespmem:s23], [sflag:$0x8] =	stream.indirect_vreg.gather [hbm4b:s6+s3], $0x80, v4, vm1, $0xb8;
	[tilespmem:$0x18200] =	vst v63  }
0x123: {  	s23 =	simm.s32 $0x12E00  }
0x124: {  	[tilespmem:s23], [sflag:$0x8] =	stream.indirect_vreg.gather [hbm4b:s1+s3], $0x80, v3, vm0, $0xb8;
	[tilespmem:$0x18200] =	vst v63  }
0x125: {  	s23 =	simm.s32 $0x13600  }
0x126: {  	[tilespmem:s23], [sflag:$0x8] =	stream.indirect_vreg.gather [hbm4b:s6+s3], $0x80, v3, vm1, $0xb8;
	[tilespmem:$0x18200] =	vst v63  }
0x127: {  	v3 =	vld [tilespmem:$0x190];
	_ =	sdelay $0x4  }
0x128: {  	v61 =	vshrl.u32 v3, $0x3  }
0x129: {  	v4 =	vmul.u32 $0x18, v61  }
0x12a: {  	v3 =	vand.u32 $0x7, v3  }
0x12b: {  	v3 =	vor.u32 v3, v4  }
0x12c: {  	v4 =	vperm.xlane v3, v0;
	_ =	sdelay $0x1  }
0x12d: {  	v4 =	vadd.s32 v1, v4;
	_ =	sdelay $0x1  }
0x12e: {  	v3 =	vperm.xlane v3, v2;
	_ =	sdelay $0x1  }
0x12f: {  	s23 =	simm.s32 $0x13A00;
	v3 =	vadd.s32 v1, v3  }
0x130: {  	[tilespmem:s23], [sflag:$0x8] =	stream.indirect_vreg.gather [hbm4b:s1+s3], $0x80, v4, vm0, $0xb8;
	[tilespmem:$0x18200] =	vst v63  }
0x131: {  	s23 =	simm.s32 $0x14200  }
0x132: {  	[tilespmem:s23], [sflag:$0x8] =	stream.indirect_vreg.gather [hbm4b:s6+s3], $0x80, v4, vm1, $0xb8;
	[tilespmem:$0x18200] =	vst v63  }
0x133: {  	s23 =	simm.s32 $0x14600  }
0x134: {  	[tilespmem:s23], [sflag:$0x8] =	stream.indirect_vreg.gather [hbm4b:s1+s3], $0x80, v3, vm0, $0xb8;
	[tilespmem:$0x18200] =	vst v63  }
0x135: {  	s23 =	simm.s32 $0x14E00  }
0x136: {  	[tilespmem:s23], [sflag:$0x8] =	stream.indirect_vreg.gather [hbm4b:s6+s3], $0x80, v3, vm1, $0xb8;
	[tilespmem:$0x18200] =	vst v63  }
0x137: {  	v3 =	vld [tilespmem:$0x1A0];
	_ =	sdelay $0x4  }
0x138: {  	v62 =	vshrl.u32 v3, $0x3  }
0x139: {  	v4 =	vmul.u32 $0x18, v62  }
0x13a: {  	v3 =	vand.u32 $0x7, v3  }
0x13b: {  	v3 =	vor.u32 v3, v4  }
0x13c: {  	v4 =	vperm.xlane v3, v0;
	_ =	sdelay $0x1  }
0x13d: {  	v4 =	vadd.s32 v1, v4;
	_ =	sdelay $0x1  }
0x13e: {  	v3 =	vperm.xlane v3, v2;
	_ =	sdelay $0x1  }
0x13f: {  	s23 =	simm.s32 $0x15200;
	v3 =	vadd.s32 v1, v3  }
0x140: {  	[tilespmem:s23], [sflag:$0x8] =	stream.indirect_vreg.gather [hbm4b:s1+s3], $0x80, v4, vm0, $0xb8;
	[tilespmem:$0x18200] =	vst v63  }
0x141: {  	s23 =	simm.s32 $0x15A00  }
0x142: {  	[tilespmem:s23], [sflag:$0x8] =	stream.indirect_vreg.gather [hbm4b:s6+s3], $0x80, v4, vm1, $0xb8;
	[tilespmem:$0x18200] =	vst v63  }
0x143: {  	s23 =	simm.s32 $0x15E00  }
0x144: {  	[tilespmem:s23], [sflag:$0x8] =	stream.indirect_vreg.gather [hbm4b:s1+s3], $0x80, v3, vm0, $0xb8;
	[tilespmem:$0x18200] =	vst v63  }
0x145: {  	s23 =	simm.s32 $0x16600  }
0x146: {  	[tilespmem:s23], [sflag:$0x8] =	stream.indirect_vreg.gather [hbm4b:s6+s3], $0x80, v3, vm1, $0xb8;
	[tilespmem:$0x18200] =	vst v63  }
0x147: {  	v3 =	vld [tilespmem:$0x1B0];
	_ =	sdelay $0x4  }
0x148: {  	v63 =	vshrl.u32 v3, $0x3  }
0x149: {  	v4 =	vmul.u32 $0x18, v63  }
0x14a: {  	v3 =	vand.u32 $0x7, v3  }
0x14b: {  	v3 =	vor.u32 v3, v4  }
0x14c: {  	v4 =	vperm.xlane v3, v0;
	_ =	sdelay $0x1  }
0x14d: {  	v4 =	vadd.s32 v1, v4;
	_ =	sdelay $0x1  }
0x14e: {  	v3 =	vperm.xlane v3, v2;
	_ =	sdelay $0x1  }
0x14f: {  	s23 =	simm.s32 $0x16A00;
	v3 =	vadd.s32 v1, v3  }
0x150: {  	[tilespmem:s23], [sflag:$0x8] =	stream.indirect_vreg.gather [hbm4b:s1+s3], $0x80, v4, vm0, $0xb8;
	[tilespmem:$0x18200] =	vst v63  }
0x151: {  	_ = 	snop  }
0x152: {  	[tilespmem:s25], [sflag:$0x8] =	stream.indirect_vreg.gather [hbm4b:s6+s3], $0x80, v4, vm1, $0xb8;
	[tilespmem:$0x18200] =	vst v63  }
0x153: {  	_ = 	snop  }
0x154: {  	[tilespmem:s26], [sflag:$0x8] =	stream.indirect_vreg.gather [hbm4b:s1+s3], $0x80, v3, vm0, $0xb8;
	[tilespmem:$0x18200] =	vst v63  }
0x155: {  	p0 =	seq.s32 s22, $0x129000  }
0x156: {  	[tilespmem:s29], [sflag:$0x8] =	stream.indirect_vreg.gather [hbm4b:s6+s3], $0x80, v3, vm1, $0xb8;
	[tilespmem:$0x18200] =	vst v63  }
.Ltmp4:
0x157: {  	_ =	swait.ge [sflag:s5], $0x6000;
	(pc) =	sbr.rel @p0 .LBB2_4-.Ltmp4, $4  }
0x158: {  	[sflag:s5] =	ssyncset.done $0x0  }
0x159: {  	s23 =	sadd.s32 s22, s9;
	[sflag:s5] =	ssyncadd.s32 $0xFFFFA000  }
0x15a: {  	[hbm4b:s23+s3] =	stream.linear.scatter [tilespmem:s4], [sflag:$0xA], $0x6000, $0x38;
	[tilespmem:$0x18200] =	vst v63  }
0x15b: {  	s23 =	sadd.s32 s22, s12  }
0x15c: {  	_ =	swait.ge [sflag:s13], $0x6000  }
0x15d: {  	[sflag:s13] =	ssyncset.done $0x0  }
0x15e: {  	[sflag:s13] =	ssyncadd.s32 $0xFFFFA000  }
0x15f: {  	[tilespmem:s3], [sflag:$0x1] =	stream.linear.gather [hbm4b:s21+s3], $0x40, $0x38;
	[tilespmem:$0x18200] =	vst v63  }
0x160: {  	_ =	swait.ge [sflag:s17], $0x40  }
0x161: {  	[sflag:s17] =	ssyncset.done $0x0  }
0x162: {  	[sflag:s17] =	ssyncadd.s32 $0xFFFFFFC0  }
0x163: {  	v3 =	vld [tilespmem:$0x0];
	_ =	sdelay $0x4  }
0x164: {  	v4 =	vshrl.u32 v3, $0x3  }
0x165: {  	v4 =	vmul.u32 $0x18, v4  }
0x166: {  	v3 =	vand.u32 $0x7, v3  }
0x167: {  	v3 =	vor.u32 v3, v4  }
0x168: {  	v4 =	vperm.xlane v3, v0;
	_ =	sdelay $0x1  }
0x169: {  	v4 =	vadd.s32 v1, v4;
	_ =	sdelay $0x1  }
0x16a: {  	v3 =	vperm.xlane v3, v2;
	_ =	sdelay $0x1  }
0x16b: {  	v3 =	vadd.s32 v1, v3  }
0x16c: {  	[tilespmem:s18], [sflag:$0x5] =	stream.indirect_vreg.gather [hbm4b:s1+s3], $0x80, v4, vm0, $0xb8;
	[tilespmem:$0x18200] =	vst v63  }
0x16d: {  	s24 =	simm.s32 $0xA00  }
0x16e: {  	[tilespmem:s24], [sflag:$0x5] =	stream.indirect_vreg.gather [hbm4b:s6+s3], $0x80, v4, vm1, $0xb8;
	[tilespmem:$0x18200] =	vst v63  }
0x16f: {  	s24 =	simm.s32 $0xE00  }
0x170: {  	[tilespmem:s24], [sflag:$0x5] =	stream.indirect_vreg.gather [hbm4b:s1+s3], $0x80, v3, vm0, $0xb8;
	[tilespmem:$0x18200] =	vst v63  }
0x171: {  	s24 =	simm.s32 $0x1600  }
0x172: {  	[tilespmem:s24], [sflag:$0x5] =	stream.indirect_vreg.gather [hbm4b:s6+s3], $0x80, v3, vm1, $0xb8;
	[tilespmem:$0x18200] =	vst v63  }
0x173: {  	v3 =	vld [tilespmem:$0x10];
	_ =	sdelay $0x4  }
0x174: {  	v57 =	vshrl.u32 v3, $0x3  }
0x175: {  	v4 =	vmul.u32 $0x18, v57  }
0x176: {  	v3 =	vand.u32 $0x7, v3  }
0x177: {  	v3 =	vor.u32 v3, v4  }
0x178: {  	v4 =	vperm.xlane v3, v0;
	_ =	sdelay $0x1  }
0x179: {  	v4 =	vadd.s32 v1, v4;
	_ =	sdelay $0x1  }
0x17a: {  	v3 =	vperm.xlane v3, v2;
	_ =	sdelay $0x1  }
0x17b: {  	s24 =	simm.s32 $0x1A00;
	v3 =	vadd.s32 v1, v3  }
0x17c: {  	[tilespmem:s24], [sflag:$0x5] =	stream.indirect_vreg.gather [hbm4b:s1+s3], $0x80, v4, vm0, $0xb8;
	[tilespmem:$0x18200] =	vst v63  }
0x17d: {  	s24 =	simm.s32 $0x2200  }
0x17e: {  	[tilespmem:s24], [sflag:$0x5] =	stream.indirect_vreg.gather [hbm4b:s6+s3], $0x80, v4, vm1, $0xb8;
	[tilespmem:$0x18200] =	vst v63  }
0x17f: {  	s24 =	simm.s32 $0x2600  }
0x180: {  	[tilespmem:s24], [sflag:$0x5] =	stream.indirect_vreg.gather [hbm4b:s1+s3], $0x80, v3, vm0, $0xb8;
	[tilespmem:$0x18200] =	vst v63  }
0x181: {  	s24 =	simm.s32 $0x2E00  }
0x182: {  	[tilespmem:s24], [sflag:$0x5] =	stream.indirect_vreg.gather [hbm4b:s6+s3], $0x80, v3, vm1, $0xb8;
	[tilespmem:$0x18200] =	vst v63  }
0x183: {  	v3 =	vld [tilespmem:$0x20];
	_ =	sdelay $0x4  }
0x184: {  	v58 =	vshrl.u32 v3, $0x3  }
0x185: {  	v4 =	vmul.u32 $0x18, v58  }
0x186: {  	v3 =	vand.u32 $0x7, v3  }
0x187: {  	v3 =	vor.u32 v3, v4  }
0x188: {  	v4 =	vperm.xlane v3, v0;
	_ =	sdelay $0x1  }
0x189: {  	v4 =	vadd.s32 v1, v4;
	_ =	sdelay $0x1  }
0x18a: {  	v3 =	vperm.xlane v3, v2;
	_ =	sdelay $0x1  }
0x18b: {  	s24 =	simm.s32 $0x3200;
	v3 =	vadd.s32 v1, v3  }
0x18c: {  	[tilespmem:s24], [sflag:$0x5] =	stream.indirect_vreg.gather [hbm4b:s1+s3], $0x80, v4, vm0, $0xb8;
	[tilespmem:$0x18200] =	vst v63  }
0x18d: {  	s24 =	simm.s32 $0x3A00  }
0x18e: {  	[tilespmem:s24], [sflag:$0x5] =	stream.indirect_vreg.gather [hbm4b:s6+s3], $0x80, v4, vm1, $0xb8;
	[tilespmem:$0x18200] =	vst v63  }
0x18f: {  	s24 =	simm.s32 $0x3E00  }
0x190: {  	[tilespmem:s24], [sflag:$0x5] =	stream.indirect_vreg.gather [hbm4b:s1+s3], $0x80, v3, vm0, $0xb8;
	[tilespmem:$0x18200] =	vst v63  }
0x191: {  	s24 =	simm.s32 $0x4600  }
0x192: {  	[tilespmem:s24], [sflag:$0x5] =	stream.indirect_vreg.gather [hbm4b:s6+s3], $0x80, v3, vm1, $0xb8;
	[tilespmem:$0x18200] =	vst v63  }
0x193: {  	v3 =	vld [tilespmem:$0x30];
	_ =	sdelay $0x4  }
0x194: {  	v59 =	vshrl.u32 v3, $0x3  }
0x195: {  	v4 =	vmul.u32 $0x18, v59  }
0x196: {  	v3 =	vand.u32 $0x7, v3  }
0x197: {  	v3 =	vor.u32 v3, v4  }
0x198: {  	v4 =	vperm.xlane v3, v0;
	_ =	sdelay $0x1  }
0x199: {  	v4 =	vadd.s32 v1, v4;
	_ =	sdelay $0x1  }
0x19a: {  	v3 =	vperm.xlane v3, v2;
	_ =	sdelay $0x1  }
0x19b: {  	s24 =	simm.s32 $0x4A00;
	v3 =	vadd.s32 v1, v3  }
0x19c: {  	[tilespmem:s24], [sflag:$0x5] =	stream.indirect_vreg.gather [hbm4b:s1+s3], $0x80, v4, vm0, $0xb8;
	[tilespmem:$0x18200] =	vst v63  }
0x19d: {  	s24 =	simm.s32 $0x5200  }
0x19e: {  	[tilespmem:s24], [sflag:$0x5] =	stream.indirect_vreg.gather [hbm4b:s6+s3], $0x80, v4, vm1, $0xb8;
	[tilespmem:$0x18200] =	vst v63  }
0x19f: {  	s24 =	simm.s32 $0x5600  }
0x1a0: {  	[tilespmem:s24], [sflag:$0x5] =	stream.indirect_vreg.gather [hbm4b:s1+s3], $0x80, v3, vm0, $0xb8;
	[tilespmem:$0x18200] =	vst v63  }
0x1a1: {  	s24 =	simm.s32 $0x5E00  }
0x1a2: {  	[tilespmem:s24], [sflag:$0x5] =	stream.indirect_vreg.gather [hbm4b:s6+s3], $0x80, v3, vm1, $0xb8;
	[tilespmem:$0x18200] =	vst v63  }
0x1a3: {  	_ =	swait.ge [sflag:s10], $0x6000  }
0x1a4: {  	[sflag:s10] =	ssyncset.done $0x0  }
0x1a5: {  	[sflag:s10] =	ssyncadd.s32 $0xFFFFA000  }
0x1a6: {  	[hbm4b:s23+s3] =	stream.linear.scatter [tilespmem:s2], [sflag:$0xB], $0x6000, $0x38;
	[tilespmem:$0x18200] =	vst v63  }
0x1a7: {  	_ =	swait.ge [sflag:s15], $0x6000  }
0x1a8: {  	[sflag:s15] =	ssyncset.done $0x0  }
0x1a9: {  	s23 =	simm.s32 $0x80;
	[sflag:s15] =	ssyncadd.s32 $0xFFFFA000  }
0x1aa: {  	[tilespmem:s23], [sflag:$0x2] =	stream.linear.gather [hbm4b:s20+s3], $0x40, $0x38;
	[tilespmem:$0x18200] =	vst v63  }
0x1ab: {  	_ =	swait.ge [sflag:s7], $0x40  }
0x1ac: {  	[sflag:s7] =	ssyncset.done $0x0  }
0x1ad: {  	[sflag:s7] =	ssyncadd.s32 $0xFFFFFFC0  }
0x1ae: {  	v3 =	vld [tilespmem:$0x80];
	_ =	sdelay $0x4  }
0x1af: {  	v60 =	vshrl.u32 v3, $0x3  }
0x1b0: {  	v4 =	vmul.u32 $0x18, v60  }
0x1b1: {  	v3 =	vand.u32 $0x7, v3  }
0x1b2: {  	v3 =	vor.u32 v3, v4  }
0x1b3: {  	v4 =	vperm.xlane v3, v0;
	_ =	sdelay $0x1  }
0x1b4: {  	v4 =	vadd.s32 v1, v4;
	_ =	sdelay $0x1  }
0x1b5: {  	v3 =	vperm.xlane v3, v2;
	_ =	sdelay $0x1  }
0x1b6: {  	v3 =	vadd.s32 v1, v3  }
0x1b7: {  	[tilespmem:s4], [sflag:$0x6] =	stream.indirect_vreg.gather [hbm4b:s1+s3], $0x80, v4, vm0, $0xb8;
	[tilespmem:$0x18200] =	vst v63  }
0x1b8: {  	s23 =	simm.s32 $0x6A00  }
0x1b9: {  	[tilespmem:s23], [sflag:$0x6] =	stream.indirect_vreg.gather [hbm4b:s6+s3], $0x80, v4, vm1, $0xb8;
	[tilespmem:$0x18200] =	vst v63  }
0x1ba: {  	s23 =	simm.s32 $0x6E00  }
0x1bb: {  	[tilespmem:s23], [sflag:$0x6] =	stream.indirect_vreg.gather [hbm4b:s1+s3], $0x80, v3, vm0, $0xb8;
	[tilespmem:$0x18200] =	vst v63  }
0x1bc: {  	s23 =	simm.s32 $0x7600  }
0x1bd: {  	[tilespmem:s23], [sflag:$0x6] =	stream.indirect_vreg.gather [hbm4b:s6+s3], $0x80, v3, vm1, $0xb8;
	[tilespmem:$0x18200] =	vst v63  }
0x1be: {  	v3 =	vld [tilespmem:$0x90];
	_ =	sdelay $0x4  }
0x1bf: {  	v61 =	vshrl.u32 v3, $0x3  }
0x1c0: {  	v4 =	vmul.u32 $0x18, v61  }
0x1c1: {  	v3 =	vand.u32 $0x7, v3  }
0x1c2: {  	v3 =	vor.u32 v3, v4  }
0x1c3: {  	v4 =	vperm.xlane v3, v0;
	_ =	sdelay $0x1  }
0x1c4: {  	v4 =	vadd.s32 v1, v4;
	_ =	sdelay $0x1  }
0x1c5: {  	v3 =	vperm.xlane v3, v2;
	_ =	sdelay $0x1  }
0x1c6: {  	s23 =	simm.s32 $0x7A00;
	v3 =	vadd.s32 v1, v3  }
0x1c7: {  	[tilespmem:s23], [sflag:$0x6] =	stream.indirect_vreg.gather [hbm4b:s1+s3], $0x80, v4, vm0, $0xb8;
	[tilespmem:$0x18200] =	vst v63  }
0x1c8: {  	s23 =	simm.s32 $0x8200  }
0x1c9: {  	[tilespmem:s23], [sflag:$0x6] =	stream.indirect_vreg.gather [hbm4b:s6+s3], $0x80, v4, vm1, $0xb8;
	[tilespmem:$0x18200] =	vst v63  }
0x1ca: {  	s23 =	simm.s32 $0x8600  }
0x1cb: {  	[tilespmem:s23], [sflag:$0x6] =	stream.indirect_vreg.gather [hbm4b:s1+s3], $0x80, v3, vm0, $0xb8;
	[tilespmem:$0x18200] =	vst v63  }
0x1cc: {  	s23 =	simm.s32 $0x8E00  }
0x1cd: {  	[tilespmem:s23], [sflag:$0x6] =	stream.indirect_vreg.gather [hbm4b:s6+s3], $0x80, v3, vm1, $0xb8;
	[tilespmem:$0x18200] =	vst v63  }
0x1ce: {  	v3 =	vld [tilespmem:$0xA0];
	_ =	sdelay $0x4  }
0x1cf: {  	v62 =	vshrl.u32 v3, $0x3  }
0x1d0: {  	v4 =	vmul.u32 $0x18, v62  }
0x1d1: {  	v3 =	vand.u32 $0x7, v3  }
0x1d2: {  	v3 =	vor.u32 v3, v4  }
0x1d3: {  	v4 =	vperm.xlane v3, v0;
	_ =	sdelay $0x1  }
0x1d4: {  	v4 =	vadd.s32 v1, v4;
	_ =	sdelay $0x1  }
0x1d5: {  	v3 =	vperm.xlane v3, v2;
	_ =	sdelay $0x1  }
0x1d6: {  	s23 =	simm.s32 $0x9200;
	v3 =	vadd.s32 v1, v3  }
0x1d7: {  	[tilespmem:s23], [sflag:$0x6] =	stream.indirect_vreg.gather [hbm4b:s1+s3], $0x80, v4, vm0, $0xb8;
	[tilespmem:$0x18200] =	vst v63  }
0x1d8: {  	s23 =	simm.s32 $0x9A00  }
0x1d9: {  	[tilespmem:s23], [sflag:$0x6] =	stream.indirect_vreg.gather [hbm4b:s6+s3], $0x80, v4, vm1, $0xb8;
	[tilespmem:$0x18200] =	vst v63  }
0x1da: {  	s23 =	simm.s32 $0x9E00  }
0x1db: {  	[tilespmem:s23], [sflag:$0x6] =	stream.indirect_vreg.gather [hbm4b:s1+s3], $0x80, v3, vm0, $0xb8;
	[tilespmem:$0x18200] =	vst v63  }
0x1dc: {  	s23 =	simm.s32 $0xA600  }
0x1dd: {  	[tilespmem:s23], [sflag:$0x6] =	stream.indirect_vreg.gather [hbm4b:s6+s3], $0x80, v3, vm1, $0xb8;
	[tilespmem:$0x18200] =	vst v63  }
0x1de: {  	v3 =	vld [tilespmem:$0xB0];
	_ =	sdelay $0x4  }
0x1df: {  	v63 =	vshrl.u32 v3, $0x3  }
0x1e0: {  	v4 =	vmul.u32 $0x18, v63  }
0x1e1: {  	v3 =	vand.u32 $0x7, v3  }
0x1e2: {  	v3 =	vor.u32 v3, v4  }
0x1e3: {  	v4 =	vperm.xlane v3, v0;
	_ =	sdelay $0x1  }
0x1e4: {  	v4 =	vadd.s32 v1, v4;
	_ =	sdelay $0x2  }
0x1e5: {  	v3 =	vperm.xlane v3, v2  }
0x1e6: {  	s23 =	simm.s32 $0xAA00  }
0x1e7: {  	v3 =	vadd.s32 v1, v3;
	[tilespmem:s23], [sflag:$0x6] =	stream.indirect_vreg.gather [hbm4b:s1+s3], $0x80, v4, vm0, $0xb8;
	[tilespmem:$0x18200] =	vst v63  }
0x1e8: {  	s23 =	simm.s32 $0xB200  }
0x1e9: {  	[tilespmem:s23], [sflag:$0x6] =	stream.indirect_vreg.gather [hbm4b:s6+s3], $0x80, v4, vm1, $0xb8;
	[tilespmem:$0x18200] =	vst v63  }
.Ltmp5:
0x1ea: {  	_ = 	snop;
	(pc) =	sbr.rel .LBB2_5-.Ltmp5, $4  }
0x1eb: {  	s23 =	simm.s32 $0xB600  }
0x1ec: {  	[tilespmem:s23], [sflag:$0x6] =	stream.indirect_vreg.gather [hbm4b:s1+s3], $0x80, v3, vm0, $0xb8;
	[tilespmem:$0x18200] =	vst v63  }
0x1ed: {  	s24 =	simm.s32 $0x100;
	s23 =	simm.s32 $0xBE00  }
0x1ee: {  	[tilespmem:s23], [sflag:$0x6] =	stream.indirect_vreg.gather [hbm4b:s6+s3], $0x80, v3, vm1, $0xb8;
	[tilespmem:$0x18200] =	vst v63  }
.LBB2_7:
0x1ef: {  	_ =	sfence.sel $0x180000  }
0x1f0: {  	[bflag:$0x0] =	sbarrier.arrive $0xFFFF  }
0x1f1: {  	_ =	strace $0x90000047  }
0x1f2: {  	s0 =	stileid.u32;
	[bflag:$0x2] =	sbarrier.arrive $0xFFFF  }
0x1f3: {  	p0 =	sne.s32 s0, $0x0;
	s0 =	rddreg [dreg:$0x3]  }
0x1f4: {  	s0 =	sadd.s32 @!p0 $0x100000, s0  }
0x1f5: {  	[sflag:s0] =	ssyncadd.tile.s32 @!p0 $0x1;
	_ =	shalt  }
.Lfunc_end2:
_tile_overlayer_lowered:
.L_overlay_start_2:
0x1f6: {  	(tag) =	ssettag $0x2  }
0x1f7: {  	s0 =	rddreg [dreg:$0x0];
	s2 =	stileid.u32  }
0x1f8: {  	s1 =	rddreg [dreg:$0x1];
	p0 =	sne.s32 s2, $0x0  }
0x1f9: {  	s3 =	rddreg [dreg:$0x2];
	[bflag:$0x3] =	sbarrier.arrive $0xFFFF;
	s2 =	simm.s32 @!p0 $0x1C0D  }
0x1fa: {  	[timem:s3], [sflag:s2] =	dma.local @!p0 [hbm:s0], s1  }
0x1fb: {  	s0 =	simm.s32 @!p0 $0xD  }
0x1fc: {  	_ =	swait.ge @!p0 [sflag:s0], s1  }
0x1fd: {  	s1 =	ssub.s32 @!p0 $0x0, s1;
	[sflag:s0] =	ssyncset.done @!p0 $0x0  }
0x1fe: {  	[sflag:s0] =	ssyncadd.s32 @!p0 s1  }
0x1ff: {  	[bflag:$0x3] =	sbarrier.arrive $0xFFFF  }
0x200: {  	_ =	shalt  }

</sc_bundles>
